<compile_context>
chip_gen: v7x
topology: tpu7x:2x2x1
jax: 0.10.2.dev20260603
libtpu: 0.0.44.dev20260713+nightly
codegen_flags: <defaults>
</compile_context>

<pallas_src>
import functools

import jax
import jax.numpy as jnp
from jax import lax
from jax.experimental import pallas as pl
from jax.experimental.pallas import tpu as pltpu
from jax.experimental.pallas import tpu_sc as plsc

_DEPTH = 8192
_FEAT = 4096
_DECAY = 0.9
_LANES = 16
_NC, _NS = 2, 16
_NW = _NC * _NS
_ROWS_W = _DEPTH // _NW
_CHUNK = 8
_NCHUNK = _ROWS_W // _CHUNK


def _mean_body(w_ref, p_ref, i_ref, out_ref):
    w = jnp.mean(w_ref[...], axis=0)
    p = jnp.mean(p_ref[...], axis=0)
    it = jnp.mean(i_ref[...], axis=0)
    nm = jnp.concatenate([w, p, it], axis=-1)
    out_ref[...] = jnp.broadcast_to(nm[None, :], (8, _FEAT))


def _new_memory(world_embed, psi, intent):
    return pl.pallas_call(
        _mean_body,
        out_shape=jax.ShapeDtypeStruct((8, _FEAT), jnp.float32),
    )(world_embed, psi, intent)


def _blend_call(nm, T):
    mesh = plsc.VectorSubcoreMesh(core_axis_name="c", subcore_axis_name="s")

    @functools.partial(
        pl.kernel,
        out_type=jax.ShapeDtypeStruct((_DEPTH, _FEAT), jnp.float32),
        mesh=mesh,
        scratch_types=[
            pltpu.VMEM((_CHUNK, _FEAT), jnp.float32),
            pltpu.VMEM((_CHUNK, _FEAT), jnp.float32),
            pltpu.VMEM((8, _FEAT), jnp.float32),
            pltpu.VMEM((1, _FEAT), jnp.float32),
            pltpu.SemaphoreType.DMA,
            pltpu.SemaphoreType.DMA,
            pltpu.SemaphoreType.DMA,
            pltpu.SemaphoreType.DMA,
            pltpu.SemaphoreType.DMA,
        ],
    )
    def blend(nm_hbm, t_hbm, out_hbm, buf0, buf1, halo_buf, halo_save,
              isem0, isem1, osem0, osem1, hsem):
        cid = lax.axis_index("c")
        sid = lax.axis_index("s")
        wid = sid * _NC + cid
        base = wid * _ROWS_W
        bufs = (buf0, buf1)
        isems = (isem0, isem1)
        osems = (osem0, osem1)

        def wait_in(buf, sem):
            pltpu.make_async_copy(t_hbm.at[pl.ds(0, _CHUNK)], buf, sem).wait()

        def wait_out(buf, sem):
            pltpu.make_async_copy(buf, out_hbm.at[pl.ds(0, _CHUNK)], sem).wait()

        def compute(buf):
            @plsc.parallel_loop(0, _FEAT // _LANES, unroll=8)
            def _strip(j):
                off = j * _LANES
                carry = halo_save[0, pl.ds(off, _LANES)]
                for k in range(_CHUNK):
                    a = buf[k, pl.ds(off, _LANES)]
                    buf[k, pl.ds(off, _LANES)] = a * _DECAY + carry * (1.0 - _DECAY)
                    carry = a
                halo_save[0, pl.ds(off, _LANES)] = carry

        @pl.when(wid == 0)
        def _():
            pltpu.async_copy(nm_hbm, halo_buf, hsem)

        @pl.when(wid > 0)
        def _():
            pltpu.async_copy(t_hbm.at[pl.ds(base - 8, 8)], halo_buf, hsem)

        pltpu.async_copy(t_hbm.at[pl.ds(base, _CHUNK)], buf0, isem0)

        pltpu.make_async_copy(nm_hbm, halo_buf, hsem).wait()

        @plsc.parallel_loop(0, _FEAT // _LANES, unroll=8)
        def _seed(j):
            off = j * _LANES
            halo_save[0, pl.ds(off, _LANES)] = halo_buf[7, pl.ds(off, _LANES)]

        def process(c, b):
            buf, isem, osem = bufs[b], isems[b], osems[b]
            nbuf, nisem, nosem = bufs[1 - b], isems[1 - b], osems[1 - b]

            @pl.when(c + 1 < _NCHUNK)
            def _():
                @pl.when(c >= 1)
                def _():
                    wait_out(nbuf, nosem)

                pltpu.async_copy(
                    t_hbm.at[pl.ds(base + (c + 1) * _CHUNK, _CHUNK)], nbuf, nisem
                )

            wait_in(buf, isem)
            compute(buf)
            pltpu.async_copy(
                buf, out_hbm.at[pl.ds(base + c * _CHUNK, _CHUNK)], osem
            )

        def pair_body(g, _):
            process(2 * g, 0)
            process(2 * g + 1, 1)
            return 0

        lax.fori_loop(0, _NCHUNK // 2, pair_body, 0)
        wait_out(buf0, osem0)
        wait_out(buf1, osem1)

    return blend(nm, T)


def kernel(world_embed, psi, intent, T):
    nm = _new_memory(world_embed, psi, intent)
    return _blend_call(nm, T)

# --- scband reference (transcript-rebuilt; emitter-appended) ---
"""Pipeline reference for scband-trace-tensor-v1-5-18348100288515 (READ-ONLY COPY).

The authoritative reference and input builder live on the scoring server;
editing this copy changes nothing except your own understanding.
"""

import jax, jax.numpy as jnp
import numpy as np

DEPTH = 8192
WORLD_DIM = 1024
H_DIM = 1024
INTENT_DIM = 2048
FEATURE_DIM = WORLD_DIM + H_DIM + INTENT_DIM
DECAY = 0.9
BATCH = 128


def setup_inputs(seed: int = 0) -> dict:
    key = jax.random.key(seed)
    k1, k2, k3, k4 = jax.random.split(key, 4)
    world_embed = jax.random.normal(k1, (BATCH, WORLD_DIM), dtype=jnp.float32)
    psi = jax.random.normal(k2, (BATCH, H_DIM), dtype=jnp.float32)
    intent = jax.random.normal(k3, (BATCH, INTENT_DIM), dtype=jnp.float32)
    # Trace buffer (registered buffer in the torch module; initialized non-zero
    # to represent a mid-training state so the update is non-degenerate)
    T = jax.random.normal(k4, (DEPTH, FEATURE_DIM), dtype=jnp.float32) * 0.1
    return {"world_embed": world_embed, "psi": psi, "intent": intent, "T": T}


def reference(world_embed, psi, intent, T):
    # Faithful translation of TraceTensor_v1_5.imprint
    w = world_embed.mean(axis=0) if world_embed.ndim > 1 else world_embed
    p = psi.mean(axis=0) if psi.ndim > 1 else psi
    i = intent.mean(axis=0) if intent.ndim > 1 else intent
    new_memory = jnp.concatenate([w, p, i], axis=-1)
    shifted = jnp.roll(T, shift=1, axis=0)
    shifted = shifted.at[0].set(new_memory)  # scatter-overwrite of row 0
    T_new = T * DECAY + shifted * (1.0 - DECAY)
    return T_new

if __name__ == "__main__":
    import jax
    _d = setup_inputs()
    print(jax.jit(kernel)(*tuple(_d.values())))

</pallas_src>

<mosaic_0001>
#map = affine_map<(d0, d1) -> (0, 0)>
module attributes {stable_mosaic.version = 14 : i64} {
  func.func @blend(%arg0: i32, %arg1: i32, %arg2: memref<8x4096xf32, #tpu.memory_space<hbm>>, %arg3: memref<8192x4096xf32, #tpu.memory_space<hbm>>, %arg4: memref<8192x4096xf32, #tpu.memory_space<hbm>>, %arg5: memref<8x4096xf32, #tpu.memory_space<vmem>>, %arg6: memref<8x4096xf32, #tpu.memory_space<vmem>>, %arg7: memref<8x4096xf32, #tpu.memory_space<vmem>>, %arg8: memref<1x4096xf32, #tpu.memory_space<vmem>>, %arg9: memref<!tpu.dma_semaphore, #tpu.memory_space<semaphore_mem>>, %arg10: memref<!tpu.dma_semaphore, #tpu.memory_space<semaphore_mem>>, %arg11: memref<!tpu.dma_semaphore, #tpu.memory_space<semaphore_mem>>, %arg12: memref<!tpu.dma_semaphore, #tpu.memory_space<semaphore_mem>>, %arg13: memref<!tpu.dma_semaphore, #tpu.memory_space<semaphore_mem>>) attributes {dimension_semantics = [#tpu.dimension_semantics<core_parallel>, #tpu.dimension_semantics<subcore_parallel>], iteration_bounds = array<i64: 2, 16>, scalar_prefetch = 0 : i64, scratch_operands = 9 : i64, tpu.core_type = #tpu.core_type<sc_vector_subcore>, window_params = [{transform_indices = #map}, {transform_indices = #map}, {transform_indices = #map}]} {
    %mul3A = arith.constant 2 : i32
    %mul3A_0 = arith.muli %arg1, %mul3A : i32
    %add3A = arith.addi %mul3A_0, %arg0 : i32
    %mul3A_1 = arith.constant 256 : i32
    %mul3A_2 = arith.muli %add3A, %mul3A_1 : i32
    %eq3A = arith.constant 0 : i32
    %eq3A_3 = arith.cmpi eq, %add3A, %eq3A : i32
    %convert_element_type3A = arith.extui %eq3A_3 : i1 to i32
    %cond3A = arith.constant 0 : i32
    %cond3A_4 = arith.cmpi ne, %convert_element_type3A, %cond3A : i32
    scf.if %cond3A_4 {
      tpu.enqueue_dma source(%arg2 : memref<8x4096xf32, #tpu.memory_space<hbm>>) target(%arg7 : memref<8x4096xf32, #tpu.memory_space<vmem>>) target_semaphore(%arg13 : memref<!tpu.dma_semaphore, #tpu.memory_space<semaphore_mem>>)
    } else {
    }
    %gt3A = arith.constant 0 : i32
    %gt3A_5 = arith.cmpi sgt, %add3A, %gt3A : i32
    %convert_element_type3A_6 = arith.extui %gt3A_5 : i1 to i32
    %cond3A_7 = arith.constant 0 : i32
    %cond3A_8 = arith.cmpi ne, %convert_element_type3A_6, %cond3A_7 : i32
    scf.if %cond3A_8 {
      %sub3A = arith.constant 8 : i32
      %sub3A_31 = arith.subi %mul3A_2, %sub3A : i32
      %dma_start3A_32 = arith.constant 0 : i32
      %dma_start3A_33 = tpu.memref_slice %arg3[%sub3A_31, %dma_start3A_32] : memref<8192x4096xf32, #tpu.memory_space<hbm>> -> memref<8x4096xf32, #tpu.memory_space<hbm>>
      %dma_start3A_34 = arith.constant 0 : i32
      %dma_start3A_35 = tpu.memref_slice %arg3[%sub3A_31, %dma_start3A_34] : memref<8192x4096xf32, #tpu.memory_space<hbm>> -> memref<8x4096xf32, #tpu.memory_space<hbm>>
      tpu.enqueue_dma source(%dma_start3A_35 : memref<8x4096xf32, #tpu.memory_space<hbm>>) target(%arg7 : memref<8x4096xf32, #tpu.memory_space<vmem>>) target_semaphore(%arg13 : memref<!tpu.dma_semaphore, #tpu.memory_space<semaphore_mem>>)
    } else {
    }
    %dma_start3A = arith.constant 0 : i32
    %dma_start3A_9 = tpu.memref_slice %arg3[%mul3A_2, %dma_start3A] : memref<8192x4096xf32, #tpu.memory_space<hbm>> -> memref<8x4096xf32, #tpu.memory_space<hbm>>
    %dma_start3A_10 = arith.constant 0 : i32
    %dma_start3A_11 = tpu.memref_slice %arg3[%mul3A_2, %dma_start3A_10] : memref<8192x4096xf32, #tpu.memory_space<hbm>> -> memref<8x4096xf32, #tpu.memory_space<hbm>>
    tpu.enqueue_dma source(%dma_start3A_11 : memref<8x4096xf32, #tpu.memory_space<hbm>>) target(%arg5 : memref<8x4096xf32, #tpu.memory_space<vmem>>) target_semaphore(%arg9 : memref<!tpu.dma_semaphore, #tpu.memory_space<semaphore_mem>>)
    tpu.wait_dma2 semaphore(%arg13 : memref<!tpu.dma_semaphore, #tpu.memory_space<semaphore_mem>>) src(%arg2 : memref<8x4096xf32, #tpu.memory_space<hbm>>) dst(%arg7 : memref<8x4096xf32, #tpu.memory_space<vmem>>)
    %parallel_loop3A = arith.constant 0 : i32
    %parallel_loop3A_12 = arith.constant 256 : i32
    %parallel_loop3A_13 = arith.constant 1 : i32
    scf.for %parallel_loop3A_31 = %parallel_loop3A to %parallel_loop3A_12 step %parallel_loop3A_13  : i32 {
      %parallel_loop3A_32 = arith.constant 16 : i32
      %parallel_loop3A_33 = arith.muli %parallel_loop3A_31, %parallel_loop3A_32 : i32
      %parallel_loop3A_34 = arith.constant 7 : i32
      %parallel_loop3A_35 = arith.index_cast %parallel_loop3A_34 : i32 to index
      %parallel_loop3A_36 = arith.index_cast %parallel_loop3A_33 : i32 to index
      %parallel_loop3A_37 = tpu.vector_load %arg7[%parallel_loop3A_35, %parallel_loop3A_36] {strides = array<i32>} : memref<8x4096xf32, #tpu.memory_space<vmem>>, vector<1x16xf32>,
      %parallel_loop3A_38 = vector.shape_cast %parallel_loop3A_37 : vector<1x16xf32> to vector<16xf32>
      %parallel_loop3A_39 = arith.constant 0 : i32
      %parallel_loop3A_40 = arith.index_cast %parallel_loop3A_39 : i32 to index
      %parallel_loop3A_41 = arith.index_cast %parallel_loop3A_33 : i32 to index
      %parallel_loop3A_42 = tpu.vector_load %arg8[%parallel_loop3A_40, %parallel_loop3A_41] {strides = array<i32>} : memref<1x4096xf32, #tpu.memory_space<vmem>>, vector<1x16xf32>,
      %parallel_loop3A_43 = vector.shape_cast %parallel_loop3A_42 : vector<1x16xf32> to vector<16xf32>
      %parallel_loop3A_44 = vector.shape_cast %parallel_loop3A_38 : vector<16xf32> to vector<1x16xf32>
      tpu.vector_store %arg8[%parallel_loop3A_40, %parallel_loop3A_41], %parallel_loop3A_44 {strides = array<i32>} : memref<1x4096xf32, #tpu.memory_space<vmem>>, vector<1x16xf32>,
    } {sc.loop_unroll_factor = 8 : i64, sc.parallel_access}
    %scan3A = arith.constant 0 : i32
    %scan3A_14 = arith.constant 0 : i32
    %scan3A_15 = arith.constant 16 : i32
    %scan3A_16 = arith.addi %scan3A_14, %scan3A_15 : i32
    %scan3A_17 = arith.constant 1 : i32
    %scan3A_18 = scf.for %scan3A_31 = %scan3A_14 to %scan3A_16 step %scan3A_17 iter_args(%scan3A_32 = %scan3A) -> (i32)  : i32 {
      %mul3A_33 = arith.constant 2 : i32
      %mul3A_34 = arith.muli %mul3A_33, %scan3A_31 : i32
      %add3A_35 = arith.constant 1 : i32
      %add3A_36 = arith.addi %mul3A_34, %add3A_35 : i32
      %lt3A = arith.constant 32 : i32
      %lt3A_37 = arith.cmpi slt, %add3A_36, %lt3A : i32
      %convert_element_type3A_38 = arith.extui %lt3A_37 : i1 to i32
      %cond3A_39 = arith.constant 0 : i32
      %cond3A_40 = arith.cmpi ne, %convert_element_type3A_38, %cond3A_39 : i32
      scf.if %cond3A_40 {
        %ge3A = arith.constant 1 : i32
        %ge3A_85 = arith.cmpi sge, %mul3A_34, %ge3A : i32
        %convert_element_type3A_86 = arith.extui %ge3A_85 : i1 to i32
        %cond3A_87 = arith.constant 0 : i32
        %cond3A_88 = arith.cmpi ne, %convert_element_type3A_86, %cond3A_87 : i32
        scf.if %cond3A_88 {
          %dma_wait3A_98 = arith.constant 0 : i32
          %dma_wait3A_99 = arith.constant 0 : i32
          %dma_wait3A_100 = tpu.memref_slice %arg4[%dma_wait3A_98, %dma_wait3A_99] : memref<8192x4096xf32, #tpu.memory_space<hbm>> -> memref<8x4096xf32, #tpu.memory_space<hbm>>
          %dma_wait3A_101 = arith.constant 0 : i32
          %dma_wait3A_102 = arith.constant 0 : i32
          %dma_wait3A_103 = tpu.memref_slice %arg4[%dma_wait3A_101, %dma_wait3A_102] : memref<8192x4096xf32, #tpu.memory_space<hbm>> -> memref<8x4096xf32, #tpu.memory_space<hbm>>
          tpu.wait_dma2 semaphore(%arg12 : memref<!tpu.dma_semaphore, #tpu.memory_space<semaphore_mem>>) src(%arg6 : memref<8x4096xf32, #tpu.memory_space<vmem>>) dst(%dma_wait3A_103 : memref<8x4096xf32, #tpu.memory_space<hbm>>)
        } else {
        }
        %add3A_89 = arith.constant 1 : i32
        %add3A_90 = arith.addi %mul3A_34, %add3A_89 : i32
        %mul3A_91 = arith.constant 8 : i32
        %mul3A_92 = arith.muli %add3A_90, %mul3A_91 : i32
        %add3A_93 = arith.addi %mul3A_2, %mul3A_92 : i32
        %dma_start3A_94 = arith.constant 0 : i32
        %dma_start3A_95 = tpu.memref_slice %arg3[%add3A_93, %dma_start3A_94] : memref<8192x4096xf32, #tpu.memory_space<hbm>> -> memref<8x4096xf32, #tpu.memory_space<hbm>>
        %dma_start3A_96 = arith.constant 0 : i32
        %dma_start3A_97 = tpu.memref_slice %arg3[%add3A_93, %dma_start3A_96] : memref<8192x4096xf32, #tpu.memory_space<hbm>> -> memref<8x4096xf32, #tpu.memory_space<hbm>>
        tpu.enqueue_dma source(%dma_start3A_97 : memref<8x4096xf32, #tpu.memory_space<hbm>>) target(%arg6 : memref<8x4096xf32, #tpu.memory_space<vmem>>) target_semaphore(%arg10 : memref<!tpu.dma_semaphore, #tpu.memory_space<semaphore_mem>>)
      } else {
      }
      %dma_wait3A_41 = arith.constant 0 : i32
      %dma_wait3A_42 = arith.constant 0 : i32
      %dma_wait3A_43 = tpu.memref_slice %arg3[%dma_wait3A_41, %dma_wait3A_42] : memref<8192x4096xf32, #tpu.memory_space<hbm>> -> memref<8x4096xf32, #tpu.memory_space<hbm>>
      %dma_wait3A_44 = arith.constant 0 : i32
      %dma_wait3A_45 = arith.constant 0 : i32
      %dma_wait3A_46 = tpu.memref_slice %arg3[%dma_wait3A_44, %dma_wait3A_45] : memref<8192x4096xf32, #tpu.memory_space<hbm>> -> memref<8x4096xf32, #tpu.memory_space<hbm>>
      tpu.wait_dma2 semaphore(%arg9 : memref<!tpu.dma_semaphore, #tpu.memory_space<semaphore_mem>>) src(%dma_wait3A_46 : memref<8x4096xf32, #tpu.memory_space<hbm>>) dst(%arg5 : memref<8x4096xf32, #tpu.memory_space<vmem>>)
      %parallel_loop3A_47 = arith.constant 0 : i32
      %parallel_loop3A_48 = arith.constant 256 : i32
      %parallel_loop3A_49 = arith.constant 1 : i32
      scf.for %parallel_loop3A_85 = %parallel_loop3A_47 to %parallel_loop3A_48 step %parallel_loop3A_49  : i32 {
        %parallel_loop3A_86 = arith.constant 16 : i32
        %parallel_loop3A_87 = arith.muli %parallel_loop3A_85, %parallel_loop3A_86 : i32
        %parallel_loop3A_88 = arith.constant 0 : i32
        %parallel_loop3A_89 = arith.index_cast %parallel_loop3A_88 : i32 to index
        %parallel_loop3A_90 = arith.index_cast %parallel_loop3A_87 : i32 to index
        %parallel_loop3A_91 = tpu.vector_load %arg8[%parallel_loop3A_89, %parallel_loop3A_90] {strides = array<i32>} : memref<1x4096xf32, #tpu.memory_space<vmem>>, vector<1x16xf32>,
        %parallel_loop3A_92 = vector.shape_cast %parallel_loop3A_91 : vector<1x16xf32> to vector<16xf32>
        %parallel_loop3A_93 = arith.constant 0 : i32
        %parallel_loop3A_94 = arith.index_cast %parallel_loop3A_93 : i32 to index
        %parallel_loop3A_95 = arith.index_cast %parallel_loop3A_87 : i32 to index
        %parallel_loop3A_96 = tpu.vector_load %arg5[%parallel_loop3A_94, %parallel_loop3A_95] {strides = array<i32>} : memref<8x4096xf32, #tpu.memory_space<vmem>>, vector<1x16xf32>,
        %parallel_loop3A_97 = vector.shape_cast %parallel_loop3A_96 : vector<1x16xf32> to vector<16xf32>
        %parallel_loop3A_98 = arith.constant 0.899999976 : f32
        %parallel_loop3A_99 = vector.broadcast %parallel_loop3A_98 : f32 to vector<16xf32>
        %parallel_loop3A_100 = arith.mulf %parallel_loop3A_97, %parallel_loop3A_99 : vector<16xf32>
        %parallel_loop3A_101 = arith.constant 1.000000e-01 : f32
        %parallel_loop3A_102 = vector.broadcast %parallel_loop3A_101 : f32 to vector<16xf32>
        %parallel_loop3A_103 = arith.mulf %parallel_loop3A_92, %parallel_loop3A_102 : vector<16xf32>
        %parallel_loop3A_104 = arith.addf %parallel_loop3A_100, %parallel_loop3A_103 : vector<16xf32>
        %parallel_loop3A_105 = arith.constant 0 : i32
        %parallel_loop3A_106 = arith.index_cast %parallel_loop3A_105 : i32 to index
        %parallel_loop3A_107 = arith.index_cast %parallel_loop3A_87 : i32 to index
        %parallel_loop3A_108 = tpu.vector_load %arg5[%parallel_loop3A_106, %parallel_loop3A_107] {strides = array<i32>} : memref<8x4096xf32, #tpu.memory_space<vmem>>, vector<1x16xf32>,
        %parallel_loop3A_109 = vector.shape_cast %parallel_loop3A_108 : vector<1x16xf32> to vector<16xf32>
        %parallel_loop3A_110 = vector.shape_cast %parallel_loop3A_104 : vector<16xf32> to vector<1x16xf32>
        tpu.vector_store %arg5[%parallel_loop3A_106, %parallel_loop3A_107], %parallel_loop3A_110 {strides = array<i32>} : memref<8x4096xf32, #tpu.memory_space<vmem>>, vector<1x16xf32>,
        %parallel_loop3A_111 = arith.constant 1 : i32
        %parallel_loop3A_112 = arith.index_cast %parallel_loop3A_111 : i32 to index
        %parallel_loop3A_113 = arith.index_cast %parallel_loop3A_87 : i32 to index
        %parallel_loop3A_114 = tpu.vector_load %arg5[%parallel_loop3A_112, %parallel_loop3A_113] {strides = array<i32>} : memref<8x4096xf32, #tpu.memory_space<vmem>>, vector<1x16xf32>,
        %parallel_loop3A_115 = vector.shape_cast %parallel_loop3A_114 : vector<1x16xf32> to vector<16xf32>
        %parallel_loop3A_116 = arith.constant 0.899999976 : f32
        %parallel_loop3A_117 = vector.broadcast %parallel_loop3A_116 : f32 to vector<16xf32>
        %parallel_loop3A_118 = arith.mulf %parallel_loop3A_115, %parallel_loop3A_117 : vector<16xf32>
        %parallel_loop3A_119 = arith.constant 1.000000e-01 : f32
        %parallel_loop3A_120 = vector.broadcast %parallel_loop3A_119 : f32 to vector<16xf32>
        %parallel_loop3A_121 = arith.mulf %parallel_loop3A_97, %parallel_loop3A_120 : vector<16xf32>
        %parallel_loop3A_122 = arith.addf %parallel_loop3A_118, %parallel_loop3A_121 : vector<16xf32>
        %parallel_loop3A_123 = arith.constant 1 : i32
        %parallel_loop3A_124 = arith.index_cast %parallel_loop3A_123 : i32 to index
        %parallel_loop3A_125 = arith.index_cast %parallel_loop3A_87 : i32 to index
        %parallel_loop3A_126 = tpu.vector_load %arg5[%parallel_loop3A_124, %parallel_loop3A_125] {strides = array<i32>} : memref<8x4096xf32, #tpu.memory_space<vmem>>, vector<1x16xf32>,
        %parallel_loop3A_127 = vector.shape_cast %parallel_loop3A_126 : vector<1x16xf32> to vector<16xf32>
        %parallel_loop3A_128 = vector.shape_cast %parallel_loop3A_122 : vector<16xf32> to vector<1x16xf32>
        tpu.vector_store %arg5[%parallel_loop3A_124, %parallel_loop3A_125], %parallel_loop3A_128 {strides = array<i32>} : memref<8x4096xf32, #tpu.memory_space<vmem>>, vector<1x16xf32>,
        %parallel_loop3A_129 = arith.constant 2 : i32
        %parallel_loop3A_130 = arith.index_cast %parallel_loop3A_129 : i32 to index
        %parallel_loop3A_131 = arith.index_cast %parallel_loop3A_87 : i32 to index
        %parallel_loop3A_132 = tpu.vector_load %arg5[%parallel_loop3A_130, %parallel_loop3A_131] {strides = array<i32>} : memref<8x4096xf32, #tpu.memory_space<vmem>>, vector<1x16xf32>,
        %parallel_loop3A_133 = vector.shape_cast %parallel_loop3A_132 : vector<1x16xf32> to vector<16xf32>
        %parallel_loop3A_134 = arith.constant 0.899999976 : f32
        %parallel_loop3A_135 = vector.broadcast %parallel_loop3A_134 : f32 to vector<16xf32>
        %parallel_loop3A_136 = arith.mulf %parallel_loop3A_133, %parallel_loop3A_135 : vector<16xf32>
        %parallel_loop3A_137 = arith.constant 1.000000e-01 : f32
        %parallel_loop3A_138 = vector.broadcast %parallel_loop3A_137 : f32 to vector<16xf32>
        %parallel_loop3A_139 = arith.mulf %parallel_loop3A_115, %parallel_loop3A_138 : vector<16xf32>
        %parallel_loop3A_140 = arith.addf %parallel_loop3A_136, %parallel_loop3A_139 : vector<16xf32>
        %parallel_loop3A_141 = arith.constant 2 : i32
        %parallel_loop3A_142 = arith.index_cast %parallel_loop3A_141 : i32 to index
        %parallel_loop3A_143 = arith.index_cast %parallel_loop3A_87 : i32 to index
        %parallel_loop3A_144 = tpu.vector_load %arg5[%parallel_loop3A_142, %parallel_loop3A_143] {strides = array<i32>} : memref<8x4096xf32, #tpu.memory_space<vmem>>, vector<1x16xf32>,
        %parallel_loop3A_145 = vector.shape_cast %parallel_loop3A_144 : vector<1x16xf32> to vector<16xf32>
        %parallel_loop3A_146 = vector.shape_cast %parallel_loop3A_140 : vector<16xf32> to vector<1x16xf32>
        tpu.vector_store %arg5[%parallel_loop3A_142, %parallel_loop3A_143], %parallel_loop3A_146 {strides = array<i32>} : memref<8x4096xf32, #tpu.memory_space<vmem>>, vector<1x16xf32>,
        %parallel_loop3A_147 = arith.constant 3 : i32
        %parallel_loop3A_148 = arith.index_cast %parallel_loop3A_147 : i32 to index
        %parallel_loop3A_149 = arith.index_cast %parallel_loop3A_87 : i32 to index
        %parallel_loop3A_150 = tpu.vector_load %arg5[%parallel_loop3A_148, %parallel_loop3A_149] {strides = array<i32>} : memref<8x4096xf32, #tpu.memory_space<vmem>>, vector<1x16xf32>,
        %parallel_loop3A_151 = vector.shape_cast %parallel_loop3A_150 : vector<1x16xf32> to vector<16xf32>
        %parallel_loop3A_152 = arith.constant 0.899999976 : f32
        %parallel_loop3A_153 = vector.broadcast %parallel_loop3A_152 : f32 to vector<16xf32>
        %parallel_loop3A_154 = arith.mulf %parallel_loop3A_151, %parallel_loop3A_153 : vector<16xf32>
        %parallel_loop3A_155 = arith.constant 1.000000e-01 : f32
        %parallel_loop3A_156 = vector.broadcast %parallel_loop3A_155 : f32 to vector<16xf32>
        %parallel_loop3A_157 = arith.mulf %parallel_loop3A_133, %parallel_loop3A_156 : vector<16xf32>
        %parallel_loop3A_158 = arith.addf %parallel_loop3A_154, %parallel_loop3A_157 : vector<16xf32>
        %parallel_loop3A_159 = arith.constant 3 : i32
        %parallel_loop3A_160 = arith.index_cast %parallel_loop3A_159 : i32 to index
        %parallel_loop3A_161 = arith.index_cast %parallel_loop3A_87 : i32 to index
        %parallel_loop3A_162 = tpu.vector_load %arg5[%parallel_loop3A_160, %parallel_loop3A_161] {strides = array<i32>} : memref<8x4096xf32, #tpu.memory_space<vmem>>, vector<1x16xf32>,
        %parallel_loop3A_163 = vector.shape_cast %parallel_loop3A_162 : vector<1x16xf32> to vector<16xf32>
        %parallel_loop3A_164 = vector.shape_cast %parallel_loop3A_158 : vector<16xf32> to vector<1x16xf32>
        tpu.vector_store %arg5[%parallel_loop3A_160, %parallel_loop3A_161], %parallel_loop3A_164 {strides = array<i32>} : memref<8x4096xf32, #tpu.memory_space<vmem>>, vector<1x16xf32>,
        %parallel_loop3A_165 = arith.constant 4 : i32
        %parallel_loop3A_166 = arith.index_cast %parallel_loop3A_165 : i32 to index
        %parallel_loop3A_167 = arith.index_cast %parallel_loop3A_87 : i32 to index
        %parallel_loop3A_168 = tpu.vector_load %arg5[%parallel_loop3A_166, %parallel_loop3A_167] {strides = array<i32>} : memref<8x4096xf32, #tpu.memory_space<vmem>>, vector<1x16xf32>,
        %parallel_loop3A_169 = vector.shape_cast %parallel_loop3A_168 : vector<1x16xf32> to vector<16xf32>
        %parallel_loop3A_170 = arith.constant 0.899999976 : f32
        %parallel_loop3A_171 = vector.broadcast %parallel_loop3A_170 : f32 to vector<16xf32>
        %parallel_loop3A_172 = arith.mulf %parallel_loop3A_169, %parallel_loop3A_171 : vector<16xf32>
        %parallel_loop3A_173 = arith.constant 1.000000e-01 : f32
        %parallel_loop3A_174 = vector.broadcast %parallel_loop3A_173 : f32 to vector<16xf32>
        %parallel_loop3A_175 = arith.mulf %parallel_loop3A_151, %parallel_loop3A_174 : vector<16xf32>
        %parallel_loop3A_176 = arith.addf %parallel_loop3A_172, %parallel_loop3A_175 : vector<16xf32>
        %parallel_loop3A_177 = arith.constant 4 : i32
        %parallel_loop3A_178 = arith.index_cast %parallel_loop3A_177 : i32 to index
        %parallel_loop3A_179 = arith.index_cast %parallel_loop3A_87 : i32 to index
        %parallel_loop3A_180 = tpu.vector_load %arg5[%parallel_loop3A_178, %parallel_loop3A_179] {strides = array<i32>} : memref<8x4096xf32, #tpu.memory_space<vmem>>, vector<1x16xf32>,
        %parallel_loop3A_181 = vector.shape_cast %parallel_loop3A_180 : vector<1x16xf32> to vector<16xf32>
        %parallel_loop3A_182 = vector.shape_cast %parallel_loop3A_176 : vector<16xf32> to vector<1x16xf32>
        tpu.vector_store %arg5[%parallel_loop3A_178, %parallel_loop3A_179], %parallel_loop3A_182 {strides = array<i32>} : memref<8x4096xf32, #tpu.memory_space<vmem>>, vector<1x16xf32>,
        %parallel_loop3A_183 = arith.constant 5 : i32
        %parallel_loop3A_184 = arith.index_cast %parallel_loop3A_183 : i32 to index
        %parallel_loop3A_185 = arith.index_cast %parallel_loop3A_87 : i32 to index
        %parallel_loop3A_186 = tpu.vector_load %arg5[%parallel_loop3A_184, %parallel_loop3A_185] {strides = array<i32>} : memref<8x4096xf32, #tpu.memory_space<vmem>>, vector<1x16xf32>,
        %parallel_loop3A_187 = vector.shape_cast %parallel_loop3A_186 : vector<1x16xf32> to vector<16xf32>
        %parallel_loop3A_188 = arith.constant 0.899999976 : f32
        %parallel_loop3A_189 = vector.broadcast %parallel_loop3A_188 : f32 to vector<16xf32>
        %parallel_loop3A_190 = arith.mulf %parallel_loop3A_187, %parallel_loop3A_189 : vector<16xf32>
        %parallel_loop3A_191 = arith.constant 1.000000e-01 : f32
        %parallel_loop3A_192 = vector.broadcast %parallel_loop3A_191 : f32 to vector<16xf32>
        %parallel_loop3A_193 = arith.mulf %parallel_loop3A_169, %parallel_loop3A_192 : vector<16xf32>
        %parallel_loop3A_194 = arith.addf %parallel_loop3A_190, %parallel_loop3A_193 : vector<16xf32>
        %parallel_loop3A_195 = arith.constant 5 : i32
        %parallel_loop3A_196 = arith.index_cast %parallel_loop3A_195 : i32 to index
        %parallel_loop3A_197 = arith.index_cast %parallel_loop3A_87 : i32 to index
        %parallel_loop3A_198 = tpu.vector_load %arg5[%parallel_loop3A_196, %parallel_loop3A_197] {strides = array<i32>} : memref<8x4096xf32, #tpu.memory_space<vmem>>, vector<1x16xf32>,
        %parallel_loop3A_199 = vector.shape_cast %parallel_loop3A_198 : vector<1x16xf32> to vector<16xf32>
        %parallel_loop3A_200 = vector.shape_cast %parallel_loop3A_194 : vector<16xf32> to vector<1x16xf32>
        tpu.vector_store %arg5[%parallel_loop3A_196, %parallel_loop3A_197], %parallel_loop3A_200 {strides = array<i32>} : memref<8x4096xf32, #tpu.memory_space<vmem>>, vector<1x16xf32>,
        %parallel_loop3A_201 = arith.constant 6 : i32
        %parallel_loop3A_202 = arith.index_cast %parallel_loop3A_201 : i32 to index
        %parallel_loop3A_203 = arith.index_cast %parallel_loop3A_87 : i32 to index
        %parallel_loop3A_204 = tpu.vector_load %arg5[%parallel_loop3A_202, %parallel_loop3A_203] {strides = array<i32>} : memref<8x4096xf32, #tpu.memory_space<vmem>>, vector<1x16xf32>,
        %parallel_loop3A_205 = vector.shape_cast %parallel_loop3A_204 : vector<1x16xf32> to vector<16xf32>
        %parallel_loop3A_206 = arith.constant 0.899999976 : f32
        %parallel_loop3A_207 = vector.broadcast %parallel_loop3A_206 : f32 to vector<16xf32>
        %parallel_loop3A_208 = arith.mulf %parallel_loop3A_205, %parallel_loop3A_207 : vector<16xf32>
        %parallel_loop3A_209 = arith.constant 1.000000e-01 : f32
        %parallel_loop3A_210 = vector.broadcast %parallel_loop3A_209 : f32 to vector<16xf32>
        %parallel_loop3A_211 = arith.mulf %parallel_loop3A_187, %parallel_loop3A_210 : vector<16xf32>
        %parallel_loop3A_212 = arith.addf %parallel_loop3A_208, %parallel_loop3A_211 : vector<16xf32>
        %parallel_loop3A_213 = arith.constant 6 : i32
        %parallel_loop3A_214 = arith.index_cast %parallel_loop3A_213 : i32 to index
        %parallel_loop3A_215 = arith.index_cast %parallel_loop3A_87 : i32 to index
        %parallel_loop3A_216 = tpu.vector_load %arg5[%parallel_loop3A_214, %parallel_loop3A_215] {strides = array<i32>} : memref<8x4096xf32, #tpu.memory_space<vmem>>, vector<1x16xf32>,
        %parallel_loop3A_217 = vector.shape_cast %parallel_loop3A_216 : vector<1x16xf32> to vector<16xf32>
        %parallel_loop3A_218 = vector.shape_cast %parallel_loop3A_212 : vector<16xf32> to vector<1x16xf32>
        tpu.vector_store %arg5[%parallel_loop3A_214, %parallel_loop3A_215], %parallel_loop3A_218 {strides = array<i32>} : memref<8x4096xf32, #tpu.memory_space<vmem>>, vector<1x16xf32>,
        %parallel_loop3A_219 = arith.constant 7 : i32
        %parallel_loop3A_220 = arith.index_cast %parallel_loop3A_219 : i32 to index
        %parallel_loop3A_221 = arith.index_cast %parallel_loop3A_87 : i32 to index
        %parallel_loop3A_222 = tpu.vector_load %arg5[%parallel_loop3A_220, %parallel_loop3A_221] {strides = array<i32>} : memref<8x4096xf32, #tpu.memory_space<vmem>>, vector<1x16xf32>,
        %parallel_loop3A_223 = vector.shape_cast %parallel_loop3A_222 : vector<1x16xf32> to vector<16xf32>
        %parallel_loop3A_224 = arith.constant 0.899999976 : f32
        %parallel_loop3A_225 = vector.broadcast %parallel_loop3A_224 : f32 to vector<16xf32>
        %parallel_loop3A_226 = arith.mulf %parallel_loop3A_223, %parallel_loop3A_225 : vector<16xf32>
        %parallel_loop3A_227 = arith.constant 1.000000e-01 : f32
        %parallel_loop3A_228 = vector.broadcast %parallel_loop3A_227 : f32 to vector<16xf32>
        %parallel_loop3A_229 = arith.mulf %parallel_loop3A_205, %parallel_loop3A_228 : vector<16xf32>
        %parallel_loop3A_230 = arith.addf %parallel_loop3A_226, %parallel_loop3A_229 : vector<16xf32>
        %parallel_loop3A_231 = arith.constant 7 : i32
        %parallel_loop3A_232 = arith.index_cast %parallel_loop3A_231 : i32 to index
        %parallel_loop3A_233 = arith.index_cast %parallel_loop3A_87 : i32 to index
        %parallel_loop3A_234 = tpu.vector_load %arg5[%parallel_loop3A_232, %parallel_loop3A_233] {strides = array<i32>} : memref<8x4096xf32, #tpu.memory_space<vmem>>, vector<1x16xf32>,
        %parallel_loop3A_235 = vector.shape_cast %parallel_loop3A_234 : vector<1x16xf32> to vector<16xf32>
        %parallel_loop3A_236 = vector.shape_cast %parallel_loop3A_230 : vector<16xf32> to vector<1x16xf32>
        tpu.vector_store %arg5[%parallel_loop3A_232, %parallel_loop3A_233], %parallel_loop3A_236 {strides = array<i32>} : memref<8x4096xf32, #tpu.memory_space<vmem>>, vector<1x16xf32>,
        %parallel_loop3A_237 = arith.constant 0 : i32
        %parallel_loop3A_238 = arith.index_cast %parallel_loop3A_237 : i32 to index
        %parallel_loop3A_239 = arith.index_cast %parallel_loop3A_87 : i32 to index
        %parallel_loop3A_240 = tpu.vector_load %arg8[%parallel_loop3A_238, %parallel_loop3A_239] {strides = array<i32>} : memref<1x4096xf32, #tpu.memory_space<vmem>>, vector<1x16xf32>,
        %parallel_loop3A_241 = vector.shape_cast %parallel_loop3A_240 : vector<1x16xf32> to vector<16xf32>
        %parallel_loop3A_242 = vector.shape_cast %parallel_loop3A_223 : vector<16xf32> to vector<1x16xf32>
        tpu.vector_store %arg8[%parallel_loop3A_238, %parallel_loop3A_239], %parallel_loop3A_242 {strides = array<i32>} : memref<1x4096xf32, #tpu.memory_space<vmem>>, vector<1x16xf32>,
      } {sc.loop_unroll_factor = 8 : i64, sc.parallel_access}
      %mul3A_50 = arith.constant 8 : i32
      %mul3A_51 = arith.muli %mul3A_34, %mul3A_50 : i32
      %add3A_52 = arith.addi %mul3A_2, %mul3A_51 : i32
      %dma_start3A_53 = arith.constant 0 : i32
      %dma_start3A_54 = tpu.memref_slice %arg4[%add3A_52, %dma_start3A_53] : memref<8192x4096xf32, #tpu.memory_space<hbm>> -> memref<8x4096xf32, #tpu.memory_space<hbm>>
      %dma_start3A_55 = arith.constant 0 : i32
      %dma_start3A_56 = tpu.memref_slice %arg4[%add3A_52, %dma_start3A_55] : memref<8192x4096xf32, #tpu.memory_space<hbm>> -> memref<8x4096xf32, #tpu.memory_space<hbm>>
      tpu.enqueue_dma source(%arg5 : memref<8x4096xf32, #tpu.memory_space<vmem>>) target(%dma_start3A_56 : memref<8x4096xf32, #tpu.memory_space<hbm>>) target_semaphore(%arg11 : memref<!tpu.dma_semaphore, #tpu.memory_space<semaphore_mem>>)
      %mul3A_57 = arith.constant 2 : i32
      %mul3A_58 = arith.muli %mul3A_57, %scan3A_31 : i32
      %add3A_59 = arith.constant 1 : i32
      %add3A_60 = arith.addi %mul3A_58, %add3A_59 : i32
      %add3A_61 = arith.constant 1 : i32
      %add3A_62 = arith.addi %add3A_60, %add3A_61 : i32
      %lt3A_63 = arith.constant 32 : i32
      %lt3A_64 = arith.cmpi slt, %add3A_62, %lt3A_63 : i32
      %convert_element_type3A_65 = arith.extui %lt3A_64 : i1 to i32
      %cond3A_66 = arith.constant 0 : i32
      %cond3A_67 = arith.cmpi ne, %convert_element_type3A_65, %cond3A_66 : i32
      scf.if %cond3A_67 {
        %ge3A = arith.constant 1 : i32
        %ge3A_85 = arith.cmpi sge, %add3A_60, %ge3A : i32
        %convert_element_type3A_86 = arith.extui %ge3A_85 : i1 to i32
        %cond3A_87 = arith.constant 0 : i32
        %cond3A_88 = arith.cmpi ne, %convert_element_type3A_86, %cond3A_87 : i32
        scf.if %cond3A_88 {
          %dma_wait3A_98 = arith.constant 0 : i32
          %dma_wait3A_99 = arith.constant 0 : i32
          %dma_wait3A_100 = tpu.memref_slice %arg4[%dma_wait3A_98, %dma_wait3A_99] : memref<8192x4096xf32, #tpu.memory_space<hbm>> -> memref<8x4096xf32, #tpu.memory_space<hbm>>
          %dma_wait3A_101 = arith.constant 0 : i32
          %dma_wait3A_102 = arith.constant 0 : i32
          %dma_wait3A_103 = tpu.memref_slice %arg4[%dma_wait3A_101, %dma_wait3A_102] : memref<8192x4096xf32, #tpu.memory_space<hbm>> -> memref<8x4096xf32, #tpu.memory_space<hbm>>
          tpu.wait_dma2 semaphore(%arg11 : memref<!tpu.dma_semaphore, #tpu.memory_space<semaphore_mem>>) src(%arg5 : memref<8x4096xf32, #tpu.memory_space<vmem>>) dst(%dma_wait3A_103 : memref<8x4096xf32, #tpu.memory_space<hbm>>)
        } else {
        }
        %add3A_89 = arith.constant 1 : i32
        %add3A_90 = arith.addi %add3A_60, %add3A_89 : i32
        %mul3A_91 = arith.constant 8 : i32
        %mul3A_92 = arith.muli %add3A_90, %mul3A_91 : i32
        %add3A_93 = arith.addi %mul3A_2, %mul3A_92 : i32
        %dma_start3A_94 = arith.constant 0 : i32
        %dma_start3A_95 = tpu.memref_slice %arg3[%add3A_93, %dma_start3A_94] : memref<8192x4096xf32, #tpu.memory_space<hbm>> -> memref<8x4096xf32, #tpu.memory_space<hbm>>
        %dma_start3A_96 = arith.constant 0 : i32
        %dma_start3A_97 = tpu.memref_slice %arg3[%add3A_93, %dma_start3A_96] : memref<8192x4096xf32, #tpu.memory_space<hbm>> -> memref<8x4096xf32, #tpu.memory_space<hbm>>
        tpu.enqueue_dma source(%dma_start3A_97 : memref<8x4096xf32, #tpu.memory_space<hbm>>) target(%arg5 : memref<8x4096xf32, #tpu.memory_space<vmem>>) target_semaphore(%arg9 : memref<!tpu.dma_semaphore, #tpu.memory_space<semaphore_mem>>)
      } else {
      }
      %dma_wait3A_68 = arith.constant 0 : i32
      %dma_wait3A_69 = arith.constant 0 : i32
      %dma_wait3A_70 = tpu.memref_slice %arg3[%dma_wait3A_68, %dma_wait3A_69] : memref<8192x4096xf32, #tpu.memory_space<hbm>> -> memref<8x4096xf32, #tpu.memory_space<hbm>>
      %dma_wait3A_71 = arith.constant 0 : i32
      %dma_wait3A_72 = arith.constant 0 : i32
      %dma_wait3A_73 = tpu.memref_slice %arg3[%dma_wait3A_71, %dma_wait3A_72] : memref<8192x4096xf32, #tpu.memory_space<hbm>> -> memref<8x4096xf32, #tpu.memory_space<hbm>>
      tpu.wait_dma2 semaphore(%arg10 : memref<!tpu.dma_semaphore, #tpu.memory_space<semaphore_mem>>) src(%dma_wait3A_73 : memref<8x4096xf32, #tpu.memory_space<hbm>>) dst(%arg6 : memref<8x4096xf32, #tpu.memory_space<vmem>>)
      %parallel_loop3A_74 = arith.constant 0 : i32
      %parallel_loop3A_75 = arith.constant 256 : i32
      %parallel_loop3A_76 = arith.constant 1 : i32
      scf.for %parallel_loop3A_85 = %parallel_loop3A_74 to %parallel_loop3A_75 step %parallel_loop3A_76  : i32 {
        %parallel_loop3A_86 = arith.constant 16 : i32
        %parallel_loop3A_87 = arith.muli %parallel_loop3A_85, %parallel_loop3A_86 : i32
        %parallel_loop3A_88 = arith.constant 0 : i32
        %parallel_loop3A_89 = arith.index_cast %parallel_loop3A_88 : i32 to index
        %parallel_loop3A_90 = arith.index_cast %parallel_loop3A_87 : i32 to index
        %parallel_loop3A_91 = tpu.vector_load %arg8[%parallel_loop3A_89, %parallel_loop3A_90] {strides = array<i32>} : memref<1x4096xf32, #tpu.memory_space<vmem>>, vector<1x16xf32>,
        %parallel_loop3A_92 = vector.shape_cast %parallel_loop3A_91 : vector<1x16xf32> to vector<16xf32>
        %parallel_loop3A_93 = arith.constant 0 : i32
        %parallel_loop3A_94 = arith.index_cast %parallel_loop3A_93 : i32 to index
        %parallel_loop3A_95 = arith.index_cast %parallel_loop3A_87 : i32 to index
        %parallel_loop3A_96 = tpu.vector_load %arg6[%parallel_loop3A_94, %parallel_loop3A_95] {strides = array<i32>} : memref<8x4096xf32, #tpu.memory_space<vmem>>, vector<1x16xf32>,
        %parallel_loop3A_97 = vector.shape_cast %parallel_loop3A_96 : vector<1x16xf32> to vector<16xf32>
        %parallel_loop3A_98 = arith.constant 0.899999976 : f32
        %parallel_loop3A_99 = vector.broadcast %parallel_loop3A_98 : f32 to vector<16xf32>
        %parallel_loop3A_100 = arith.mulf %parallel_loop3A_97, %parallel_loop3A_99 : vector<16xf32>
        %parallel_loop3A_101 = arith.constant 1.000000e-01 : f32
        %parallel_loop3A_102 = vector.broadcast %parallel_loop3A_101 : f32 to vector<16xf32>
        %parallel_loop3A_103 = arith.mulf %parallel_loop3A_92, %parallel_loop3A_102 : vector<16xf32>
        %parallel_loop3A_104 = arith.addf %parallel_loop3A_100, %parallel_loop3A_103 : vector<16xf32>
        %parallel_loop3A_105 = arith.constant 0 : i32
        %parallel_loop3A_106 = arith.index_cast %parallel_loop3A_105 : i32 to index
        %parallel_loop3A_107 = arith.index_cast %parallel_loop3A_87 : i32 to index
        %parallel_loop3A_108 = tpu.vector_load %arg6[%parallel_loop3A_106, %parallel_loop3A_107] {strides = array<i32>} : memref<8x4096xf32, #tpu.memory_space<vmem>>, vector<1x16xf32>,
        %parallel_loop3A_109 = vector.shape_cast %parallel_loop3A_108 : vector<1x16xf32> to vector<16xf32>
        %parallel_loop3A_110 = vector.shape_cast %parallel_loop3A_104 : vector<16xf32> to vector<1x16xf32>
        tpu.vector_store %arg6[%parallel_loop3A_106, %parallel_loop3A_107], %parallel_loop3A_110 {strides = array<i32>} : memref<8x4096xf32, #tpu.memory_space<vmem>>, vector<1x16xf32>,
        %parallel_loop3A_111 = arith.constant 1 : i32
        %parallel_loop3A_112 = arith.index_cast %parallel_loop3A_111 : i32 to index
        %parallel_loop3A_113 = arith.index_cast %parallel_loop3A_87 : i32 to index
        %parallel_loop3A_114 = tpu.vector_load %arg6[%parallel_loop3A_112, %parallel_loop3A_113] {strides = array<i32>} : memref<8x4096xf32, #tpu.memory_space<vmem>>, vector<1x16xf32>,
        %parallel_loop3A_115 = vector.shape_cast %parallel_loop3A_114 : vector<1x16xf32> to vector<16xf32>
        %parallel_loop3A_116 = arith.constant 0.899999976 : f32
        %parallel_loop3A_117 = vector.broadcast %parallel_loop3A_116 : f32 to vector<16xf32>
        %parallel_loop3A_118 = arith.mulf %parallel_loop3A_115, %parallel_loop3A_117 : vector<16xf32>
        %parallel_loop3A_119 = arith.constant 1.000000e-01 : f32
        %parallel_loop3A_120 = vector.broadcast %parallel_loop3A_119 : f32 to vector<16xf32>
        %parallel_loop3A_121 = arith.mulf %parallel_loop3A_97, %parallel_loop3A_120 : vector<16xf32>
        %parallel_loop3A_122 = arith.addf %parallel_loop3A_118, %parallel_loop3A_121 : vector<16xf32>
        %parallel_loop3A_123 = arith.constant 1 : i32
        %parallel_loop3A_124 = arith.index_cast %parallel_loop3A_123 : i32 to index
        %parallel_loop3A_125 = arith.index_cast %parallel_loop3A_87 : i32 to index
        %parallel_loop3A_126 = tpu.vector_load %arg6[%parallel_loop3A_124, %parallel_loop3A_125] {strides = array<i32>} : memref<8x4096xf32, #tpu.memory_space<vmem>>, vector<1x16xf32>,
        %parallel_loop3A_127 = vector.shape_cast %parallel_loop3A_126 : vector<1x16xf32> to vector<16xf32>
        %parallel_loop3A_128 = vector.shape_cast %parallel_loop3A_122 : vector<16xf32> to vector<1x16xf32>
        tpu.vector_store %arg6[%parallel_loop3A_124, %parallel_loop3A_125], %parallel_loop3A_128 {strides = array<i32>} : memref<8x4096xf32, #tpu.memory_space<vmem>>, vector<1x16xf32>,
        %parallel_loop3A_129 = arith.constant 2 : i32
        %parallel_loop3A_130 = arith.index_cast %parallel_loop3A_129 : i32 to index
        %parallel_loop3A_131 = arith.index_cast %parallel_loop3A_87 : i32 to index
        %parallel_loop3A_132 = tpu.vector_load %arg6[%parallel_loop3A_130, %parallel_loop3A_131] {strides = array<i32>} : memref<8x4096xf32, #tpu.memory_space<vmem>>, vector<1x16xf32>,
        %parallel_loop3A_133 = vector.shape_cast %parallel_loop3A_132 : vector<1x16xf32> to vector<16xf32>
        %parallel_loop3A_134 = arith.constant 0.899999976 : f32
        %parallel_loop3A_135 = vector.broadcast %parallel_loop3A_134 : f32 to vector<16xf32>
        %parallel_loop3A_136 = arith.mulf %parallel_loop3A_133, %parallel_loop3A_135 : vector<16xf32>
        %parallel_loop3A_137 = arith.constant 1.000000e-01 : f32
        %parallel_loop3A_138 = vector.broadcast %parallel_loop3A_137 : f32 to vector<16xf32>
        %parallel_loop3A_139 = arith.mulf %parallel_loop3A_115, %parallel_loop3A_138 : vector<16xf32>
        %parallel_loop3A_140 = arith.addf %parallel_loop3A_136, %parallel_loop3A_139 : vector<16xf32>
        %parallel_loop3A_141 = arith.constant 2 : i32
        %parallel_loop3A_142 = arith.index_cast %parallel_loop3A_141 : i32 to index
        %parallel_loop3A_143 = arith.index_cast %parallel_loop3A_87 : i32 to index
        %parallel_loop3A_144 = tpu.vector_load %arg6[%parallel_loop3A_142, %parallel_loop3A_143] {strides = array<i32>} : memref<8x4096xf32, #tpu.memory_space<vmem>>, vector<1x16xf32>,
        %parallel_loop3A_145 = vector.shape_cast %parallel_loop3A_144 : vector<1x16xf32> to vector<16xf32>
        %parallel_loop3A_146 = vector.shape_cast %parallel_loop3A_140 : vector<16xf32> to vector<1x16xf32>
        tpu.vector_store %arg6[%parallel_loop3A_142, %parallel_loop3A_143], %parallel_loop3A_146 {strides = array<i32>} : memref<8x4096xf32, #tpu.memory_space<vmem>>, vector<1x16xf32>,
        %parallel_loop3A_147 = arith.constant 3 : i32
        %parallel_loop3A_148 = arith.index_cast %parallel_loop3A_147 : i32 to index
        %parallel_loop3A_149 = arith.index_cast %parallel_loop3A_87 : i32 to index
        %parallel_loop3A_150 = tpu.vector_load %arg6[%parallel_loop3A_148, %parallel_loop3A_149] {strides = array<i32>} : memref<8x4096xf32, #tpu.memory_space<vmem>>, vector<1x16xf32>,
        %parallel_loop3A_151 = vector.shape_cast %parallel_loop3A_150 : vector<1x16xf32> to vector<16xf32>
        %parallel_loop3A_152 = arith.constant 0.899999976 : f32
        %parallel_loop3A_153 = vector.broadcast %parallel_loop3A_152 : f32 to vector<16xf32>
        %parallel_loop3A_154 = arith.mulf %parallel_loop3A_151, %parallel_loop3A_153 : vector<16xf32>
        %parallel_loop3A_155 = arith.constant 1.000000e-01 : f32
        %parallel_loop3A_156 = vector.broadcast %parallel_loop3A_155 : f32 to vector<16xf32>
        %parallel_loop3A_157 = arith.mulf %parallel_loop3A_133, %parallel_loop3A_156 : vector<16xf32>
        %parallel_loop3A_158 = arith.addf %parallel_loop3A_154, %parallel_loop3A_157 : vector<16xf32>
        %parallel_loop3A_159 = arith.constant 3 : i32
        %parallel_loop3A_160 = arith.index_cast %parallel_loop3A_159 : i32 to index
        %parallel_loop3A_161 = arith.index_cast %parallel_loop3A_87 : i32 to index
        %parallel_loop3A_162 = tpu.vector_load %arg6[%parallel_loop3A_160, %parallel_loop3A_161] {strides = array<i32>} : memref<8x4096xf32, #tpu.memory_space<vmem>>, vector<1x16xf32>,
        %parallel_loop3A_163 = vector.shape_cast %parallel_loop3A_162 : vector<1x16xf32> to vector<16xf32>
        %parallel_loop3A_164 = vector.shape_cast %parallel_loop3A_158 : vector<16xf32> to vector<1x16xf32>
        tpu.vector_store %arg6[%parallel_loop3A_160, %parallel_loop3A_161], %parallel_loop3A_164 {strides = array<i32>} : memref<8x4096xf32, #tpu.memory_space<vmem>>, vector<1x16xf32>,
        %parallel_loop3A_165 = arith.constant 4 : i32
        %parallel_loop3A_166 = arith.index_cast %parallel_loop3A_165 : i32 to index
        %parallel_loop3A_167 = arith.index_cast %parallel_loop3A_87 : i32 to index
        %parallel_loop3A_168 = tpu.vector_load %arg6[%parallel_loop3A_166, %parallel_loop3A_167] {strides = array<i32>} : memref<8x4096xf32, #tpu.memory_space<vmem>>, vector<1x16xf32>,
        %parallel_loop3A_169 = vector.shape_cast %parallel_loop3A_168 : vector<1x16xf32> to vector<16xf32>
        %parallel_loop3A_170 = arith.constant 0.899999976 : f32
        %parallel_loop3A_171 = vector.broadcast %parallel_loop3A_170 : f32 to vector<16xf32>
        %parallel_loop3A_172 = arith.mulf %parallel_loop3A_169, %parallel_loop3A_171 : vector<16xf32>
        %parallel_loop3A_173 = arith.constant 1.000000e-01 : f32
        %parallel_loop3A_174 = vector.broadcast %parallel_loop3A_173 : f32 to vector<16xf32>
        %parallel_loop3A_175 = arith.mulf %parallel_loop3A_151, %parallel_loop3A_174 : vector<16xf32>
        %parallel_loop3A_176 = arith.addf %parallel_loop3A_172, %parallel_loop3A_175 : vector<16xf32>
        %parallel_loop3A_177 = arith.constant 4 : i32
        %parallel_loop3A_178 = arith.index_cast %parallel_loop3A_177 : i32 to index
        %parallel_loop3A_179 = arith.index_cast %parallel_loop3A_87 : i32 to index
        %parallel_loop3A_180 = tpu.vector_load %arg6[%parallel_loop3A_178, %parallel_loop3A_179] {strides = array<i32>} : memref<8x4096xf32, #tpu.memory_space<vmem>>, vector<1x16xf32>,
        %parallel_loop3A_181 = vector.shape_cast %parallel_loop3A_180 : vector<1x16xf32> to vector<16xf32>
        %parallel_loop3A_182 = vector.shape_cast %parallel_loop3A_176 : vector<16xf32> to vector<1x16xf32>
        tpu.vector_store %arg6[%parallel_loop3A_178, %parallel_loop3A_179], %parallel_loop3A_182 {strides = array<i32>} : memref<8x4096xf32, #tpu.memory_space<vmem>>, vector<1x16xf32>,
        %parallel_loop3A_183 = arith.constant 5 : i32
        %parallel_loop3A_184 = arith.index_cast %parallel_loop3A_183 : i32 to index
        %parallel_loop3A_185 = arith.index_cast %parallel_loop3A_87 : i32 to index
        %parallel_loop3A_186 = tpu.vector_load %arg6[%parallel_loop3A_184, %parallel_loop3A_185] {strides = array<i32>} : memref<8x4096xf32, #tpu.memory_space<vmem>>, vector<1x16xf32>,
        %parallel_loop3A_187 = vector.shape_cast %parallel_loop3A_186 : vector<1x16xf32> to vector<16xf32>
        %parallel_loop3A_188 = arith.constant 0.899999976 : f32
        %parallel_loop3A_189 = vector.broadcast %parallel_loop3A_188 : f32 to vector<16xf32>
        %parallel_loop3A_190 = arith.mulf %parallel_loop3A_187, %parallel_loop3A_189 : vector<16xf32>
        %parallel_loop3A_191 = arith.constant 1.000000e-01 : f32
        %parallel_loop3A_192 = vector.broadcast %parallel_loop3A_191 : f32 to vector<16xf32>
        %parallel_loop3A_193 = arith.mulf %parallel_loop3A_169, %parallel_loop3A_192 : vector<16xf32>
        %parallel_loop3A_194 = arith.addf %parallel_loop3A_190, %parallel_loop3A_193 : vector<16xf32>
        %parallel_loop3A_195 = arith.constant 5 : i32
        %parallel_loop3A_196 = arith.index_cast %parallel_loop3A_195 : i32 to index
        %parallel_loop3A_197 = arith.index_cast %parallel_loop3A_87 : i32 to index
        %parallel_loop3A_198 = tpu.vector_load %arg6[%parallel_loop3A_196, %parallel_loop3A_197] {strides = array<i32>} : memref<8x4096xf32, #tpu.memory_space<vmem>>, vector<1x16xf32>,
        %parallel_loop3A_199 = vector.shape_cast %parallel_loop3A_198 : vector<1x16xf32> to vector<16xf32>
        %parallel_loop3A_200 = vector.shape_cast %parallel_loop3A_194 : vector<16xf32> to vector<1x16xf32>
        tpu.vector_store %arg6[%parallel_loop3A_196, %parallel_loop3A_197], %parallel_loop3A_200 {strides = array<i32>} : memref<8x4096xf32, #tpu.memory_space<vmem>>, vector<1x16xf32>,
        %parallel_loop3A_201 = arith.constant 6 : i32
        %parallel_loop3A_202 = arith.index_cast %parallel_loop3A_201 : i32 to index
        %parallel_loop3A_203 = arith.index_cast %parallel_loop3A_87 : i32 to index
        %parallel_loop3A_204 = tpu.vector_load %arg6[%parallel_loop3A_202, %parallel_loop3A_203] {strides = array<i32>} : memref<8x4096xf32, #tpu.memory_space<vmem>>, vector<1x16xf32>,
        %parallel_loop3A_205 = vector.shape_cast %parallel_loop3A_204 : vector<1x16xf32> to vector<16xf32>
        %parallel_loop3A_206 = arith.constant 0.899999976 : f32
        %parallel_loop3A_207 = vector.broadcast %parallel_loop3A_206 : f32 to vector<16xf32>
        %parallel_loop3A_208 = arith.mulf %parallel_loop3A_205, %parallel_loop3A_207 : vector<16xf32>
        %parallel_loop3A_209 = arith.constant 1.000000e-01 : f32
        %parallel_loop3A_210 = vector.broadcast %parallel_loop3A_209 : f32 to vector<16xf32>
        %parallel_loop3A_211 = arith.mulf %parallel_loop3A_187, %parallel_loop3A_210 : vector<16xf32>
        %parallel_loop3A_212 = arith.addf %parallel_loop3A_208, %parallel_loop3A_211 : vector<16xf32>
        %parallel_loop3A_213 = arith.constant 6 : i32
        %parallel_loop3A_214 = arith.index_cast %parallel_loop3A_213 : i32 to index
        %parallel_loop3A_215 = arith.index_cast %parallel_loop3A_87 : i32 to index
        %parallel_loop3A_216 = tpu.vector_load %arg6[%parallel_loop3A_214, %parallel_loop3A_215] {strides = array<i32>} : memref<8x4096xf32, #tpu.memory_space<vmem>>, vector<1x16xf32>,
        %parallel_loop3A_217 = vector.shape_cast %parallel_loop3A_216 : vector<1x16xf32> to vector<16xf32>
        %parallel_loop3A_218 = vector.shape_cast %parallel_loop3A_212 : vector<16xf32> to vector<1x16xf32>
        tpu.vector_store %arg6[%parallel_loop3A_214, %parallel_loop3A_215], %parallel_loop3A_218 {strides = array<i32>} : memref<8x4096xf32, #tpu.memory_space<vmem>>, vector<1x16xf32>,
        %parallel_loop3A_219 = arith.constant 7 : i32
        %parallel_loop3A_220 = arith.index_cast %parallel_loop3A_219 : i32 to index
        %parallel_loop3A_221 = arith.index_cast %parallel_loop3A_87 : i32 to index
        %parallel_loop3A_222 = tpu.vector_load %arg6[%parallel_loop3A_220, %parallel_loop3A_221] {strides = array<i32>} : memref<8x4096xf32, #tpu.memory_space<vmem>>, vector<1x16xf32>,
        %parallel_loop3A_223 = vector.shape_cast %parallel_loop3A_222 : vector<1x16xf32> to vector<16xf32>
        %parallel_loop3A_224 = arith.constant 0.899999976 : f32
        %parallel_loop3A_225 = vector.broadcast %parallel_loop3A_224 : f32 to vector<16xf32>
        %parallel_loop3A_226 = arith.mulf %parallel_loop3A_223, %parallel_loop3A_225 : vector<16xf32>
        %parallel_loop3A_227 = arith.constant 1.000000e-01 : f32
        %parallel_loop3A_228 = vector.broadcast %parallel_loop3A_227 : f32 to vector<16xf32>
        %parallel_loop3A_229 = arith.mulf %parallel_loop3A_205, %parallel_loop3A_228 : vector<16xf32>
        %parallel_loop3A_230 = arith.addf %parallel_loop3A_226, %parallel_loop3A_229 : vector<16xf32>
        %parallel_loop3A_231 = arith.constant 7 : i32
        %parallel_loop3A_232 = arith.index_cast %parallel_loop3A_231 : i32 to index
        %parallel_loop3A_233 = arith.index_cast %parallel_loop3A_87 : i32 to index
        %parallel_loop3A_234 = tpu.vector_load %arg6[%parallel_loop3A_232, %parallel_loop3A_233] {strides = array<i32>} : memref<8x4096xf32, #tpu.memory_space<vmem>>, vector<1x16xf32>,
        %parallel_loop3A_235 = vector.shape_cast %parallel_loop3A_234 : vector<1x16xf32> to vector<16xf32>
        %parallel_loop3A_236 = vector.shape_cast %parallel_loop3A_230 : vector<16xf32> to vector<1x16xf32>
        tpu.vector_store %arg6[%parallel_loop3A_232, %parallel_loop3A_233], %parallel_loop3A_236 {strides = array<i32>} : memref<8x4096xf32, #tpu.memory_space<vmem>>, vector<1x16xf32>,
        %parallel_loop3A_237 = arith.constant 0 : i32
        %parallel_loop3A_238 = arith.index_cast %parallel_loop3A_237 : i32 to index
        %parallel_loop3A_239 = arith.index_cast %parallel_loop3A_87 : i32 to index
        %parallel_loop3A_240 = tpu.vector_load %arg8[%parallel_loop3A_238, %parallel_loop3A_239] {strides = array<i32>} : memref<1x4096xf32, #tpu.memory_space<vmem>>, vector<1x16xf32>,
        %parallel_loop3A_241 = vector.shape_cast %parallel_loop3A_240 : vector<1x16xf32> to vector<16xf32>
        %parallel_loop3A_242 = vector.shape_cast %parallel_loop3A_223 : vector<16xf32> to vector<1x16xf32>
        tpu.vector_store %arg8[%parallel_loop3A_238, %parallel_loop3A_239], %parallel_loop3A_242 {strides = array<i32>} : memref<1x4096xf32, #tpu.memory_space<vmem>>, vector<1x16xf32>,
      } {sc.loop_unroll_factor = 8 : i64, sc.parallel_access}
      %mul3A_77 = arith.constant 8 : i32
      %mul3A_78 = arith.muli %add3A_60, %mul3A_77 : i32
      %add3A_79 = arith.addi %mul3A_2, %mul3A_78 : i32
      %dma_start3A_80 = arith.constant 0 : i32
      %dma_start3A_81 = tpu.memref_slice %arg4[%add3A_79, %dma_start3A_80] : memref<8192x4096xf32, #tpu.memory_space<hbm>> -> memref<8x4096xf32, #tpu.memory_space<hbm>>
      %dma_start3A_82 = arith.constant 0 : i32
      %dma_start3A_83 = tpu.memref_slice %arg4[%add3A_79, %dma_start3A_82] : memref<8192x4096xf32, #tpu.memory_space<hbm>> -> memref<8x4096xf32, #tpu.memory_space<hbm>>
      tpu.enqueue_dma source(%arg6 : memref<8x4096xf32, #tpu.memory_space<vmem>>) target(%dma_start3A_83 : memref<8x4096xf32, #tpu.memory_space<hbm>>) target_semaphore(%arg12 : memref<!tpu.dma_semaphore, #tpu.memory_space<semaphore_mem>>)
      %scan3A_84 = arith.constant 0 : i32
      scf.yield %scan3A_84 : i32
    }
    %scan3A_19 = arith.constant 16 : i32
    %dma_wait3A = arith.constant 0 : i32
    %dma_wait3A_20 = arith.constant 0 : i32
    %dma_wait3A_21 = tpu.memref_slice %arg4[%dma_wait3A, %dma_wait3A_20] : memref<8192x4096xf32, #tpu.memory_space<hbm>> -> memref<8x4096xf32, #tpu.memory_space<hbm>>
    %dma_wait3A_22 = arith.constant 0 : i32
    %dma_wait3A_23 = arith.constant 0 : i32
    %dma_wait3A_24 = tpu.memref_slice %arg4[%dma_wait3A_22, %dma_wait3A_23] : memref<8192x4096xf32, #tpu.memory_space<hbm>> -> memref<8x4096xf32, #tpu.memory_space<hbm>>
    tpu.wait_dma2 semaphore(%arg11 : memref<!tpu.dma_semaphore, #tpu.memory_space<semaphore_mem>>) src(%arg5 : memref<8x4096xf32, #tpu.memory_space<vmem>>) dst(%dma_wait3A_24 : memref<8x4096xf32, #tpu.memory_space<hbm>>)
    %dma_wait3A_25 = arith.constant 0 : i32
    %dma_wait3A_26 = arith.constant 0 : i32
    %dma_wait3A_27 = tpu.memref_slice %arg4[%dma_wait3A_25, %dma_wait3A_26] : memref<8192x4096xf32, #tpu.memory_space<hbm>> -> memref<8x4096xf32, #tpu.memory_space<hbm>>
    %dma_wait3A_28 = arith.constant 0 : i32
    %dma_wait3A_29 = arith.constant 0 : i32
    %dma_wait3A_30 = tpu.memref_slice %arg4[%dma_wait3A_28, %dma_wait3A_29] : memref<8192x4096xf32, #tpu.memory_space<hbm>> -> memref<8x4096xf32, #tpu.memory_space<hbm>>
    tpu.wait_dma2 semaphore(%arg12 : memref<!tpu.dma_semaphore, #tpu.memory_space<semaphore_mem>>) src(%arg6 : memref<8x4096xf32, #tpu.memory_space<vmem>>) dst(%dma_wait3A_30 : memref<8x4096xf32, #tpu.memory_space<hbm>>)
    return
  }
}

module attributes {stable_mosaic.version = 14 : i64} {
  func.func @_mean_body(%arg0: memref<128x1024xf32, #tpu.memory_space<vmem>>, %arg1: memref<128x1024xf32, #tpu.memory_space<vmem>>, %arg2: memref<128x2048xf32, #tpu.memory_space<vmem>>, %arg3: memref<8x4096xf32, #tpu.memory_space<vmem>>) attributes {dimension_semantics = [], scalar_prefetch = 0 : i64, scratch_operands = 0 : i64, tpu.core_type = #tpu.core_type<tc>} {
    %get3A = arith.constant 0 : index
    %get3A_0 = arith.constant 0 : index
    %get3A_1 = vector.load %arg0[%get3A, %get3A_0] : memref<128x1024xf32, #tpu.memory_space<vmem>>, vector<128x1024xf32>
    %reduce_sum3A = arith.constant dense<0.000000e+00> : vector<1024xf32>
    %reduce_sum3A_2 = vector.multi_reduction <add>, %get3A_1, %reduce_sum3A [0] : vector<128x1024xf32> to vector<1024xf32>
    %div3A = arith.constant 1.280000e+02 : f32
    %div3A_3 = vector.broadcast %div3A : f32 to vector<1024xf32>
    %div3A_4 = arith.divf %reduce_sum3A_2, %div3A_3 : vector<1024xf32>
    %get3A_5 = arith.constant 0 : index
    %get3A_6 = arith.constant 0 : index
    %get3A_7 = vector.load %arg1[%get3A_5, %get3A_6] : memref<128x1024xf32, #tpu.memory_space<vmem>>, vector<128x1024xf32>
    %reduce_sum3A_8 = arith.constant dense<0.000000e+00> : vector<1024xf32>
    %reduce_sum3A_9 = vector.multi_reduction <add>, %get3A_7, %reduce_sum3A_8 [0] : vector<128x1024xf32> to vector<1024xf32>
    %div3A_10 = arith.constant 1.280000e+02 : f32
    %div3A_11 = vector.broadcast %div3A_10 : f32 to vector<1024xf32>
    %div3A_12 = arith.divf %reduce_sum3A_9, %div3A_11 : vector<1024xf32>
    %get3A_13 = arith.constant 0 : index
    %get3A_14 = arith.constant 0 : index
    %get3A_15 = vector.load %arg2[%get3A_13, %get3A_14] : memref<128x2048xf32, #tpu.memory_space<vmem>>, vector<128x2048xf32>
    %reduce_sum3A_16 = arith.constant dense<0.000000e+00> : vector<2048xf32>
    %reduce_sum3A_17 = vector.multi_reduction <add>, %get3A_15, %reduce_sum3A_16 [0] : vector<128x2048xf32> to vector<2048xf32>
    %div3A_18 = arith.constant 1.280000e+02 : f32
    %div3A_19 = vector.broadcast %div3A_18 : f32 to vector<2048xf32>
    %div3A_20 = arith.divf %reduce_sum3A_17, %div3A_19 : vector<2048xf32>
    %concatenate3A = tpu.concatenate %div3A_4, %div3A_12, %div3A_20 in 0 : vector<1024xf32>, vector<1024xf32>, vector<2048xf32> -> vector<4096xf32>
    %broadcast_in_dim3A = vector.shape_cast %concatenate3A : vector<4096xf32> to vector<1x4096xf32>
    %broadcast_in_dim3A_21 = vector.shape_cast %broadcast_in_dim3A : vector<1x4096xf32> to vector<1x4096xf32>
    %broadcast_in_dim3A_22 = vector.broadcast %broadcast_in_dim3A_21 : vector<1x4096xf32> to vector<8x4096xf32>
    %swap3A = arith.constant 0 : index
    %swap3A_23 = arith.constant 0 : index
    %swap3A_24 = vector.load %arg3[%swap3A, %swap3A_23] : memref<8x4096xf32, #tpu.memory_space<vmem>>, vector<8x4096xf32>
    tpu.vector_store %arg3[%swap3A, %swap3A_23], %broadcast_in_dim3A_22 {strides = array<i32>} : memref<8x4096xf32, #tpu.memory_space<vmem>>, vector<8x4096xf32>,
    return
  }
}

</mosaic_0001>

<sc_bundles>
// kernel: kernel.4.cloned.1.call-start
scs
__scs_entry_jumppad:
0x0: {  	(pc) =	sbr.rel $0x88, $3  }
0x1: {  	(tag) =	ssettag $0x0;
	lr =	simm.s32 $0x1  }
0x2: {  	[smem:$0x3F9D] =	sst lr;
	_ =	strace $0xD0000000  }
0x3: {  	_ = 	snop  }
0x4: {  	_ = 	snop  }
0x5: {  	_ = 	snop  }
0x6: {  	_ = 	snop  }
0x7: {  	_ = 	snop  }
__scs_overlays_trampoline_lowered:
0x8: {  	[smem:$0x3FAC] =	sst s0  }
0x9: {  	[smem:$0x3FAD] =	sst s1  }
0xa: {  	[smem:$0x3FAE] =	sst s2  }
0xb: {  	[smem:$0x3FAF] =	sst s3  }
0xc: {  	[smem:$0x3FB0] =	sst s4  }
0xd: {  	[smem:$0x3FB1] =	sst s5  }
0xe: {  	[smem:$0x3FB2] =	sst s6  }
0xf: {  	[smem:$0x3FB3] =	sst s7  }
0x10: {  	[smem:$0x3FB4] =	sst s8  }
0x11: {  	[smem:$0x3FB5] =	sst s9;
	s0 =	simm.s32 @!p0 $0x0  }
0x12: {  	s1 =	sld [smem:$0x3F9B];
	s0 =	simm.s32 @p0 $0x1  }
0x13: {  	[smem:$0x3FB6] =	sst s0;
	s0 =	simm.s32 @!p1 $0x0  }
0x14: {  	s2 =	sld [smem:$0x3F9A];
	s0 =	simm.s32 @p1 $0x1  }
0x15: {  	[smem:$0x3FB7] =	sst s0;
	s0 =	simm.s32 @!p2 $0x0  }
0x16: {  	s3 =	sld [smem:$0x3FDB];
	s0 =	simm.s32 @p2 $0x1  }
0x17: {  	s4 =	simm.s32 $0x1BF5;
	[smem:$0x3FB9] =	sst s0  }
0x18: {  	s0 =	sld [smem:$0x3F9C];
	_ =	swait.ge [sflag:s4], $0x0  }
0x19: {  	s7 =	sld [smem:$0x3F9D]  }
0x1a: {  	s8 =	sadd.s32 $0xFFFFE003, lr  }
0x1b: {  	s9 =	sadd.s32 $0xFFFFFEF7, lr;
	s5 =	simm.s32 $0xFFFFFFFF;
	p2 =	slt.u32 s8, $0xFFFFF086  }
0x1c: {  	p1 =	slt.u32 s9, $0xF7A;
	s5 =	simm.s32 @!p2 $0x0  }
0x1d: {  	s5 =	simm.s32 @p1 $0x1;
	p0 =	seq.s32 s7, s2  }
0x1e: {  	s7 =	smul.u32 @!p0 $0xF7A, s2;
	p2 =	seq.s32 @!p0 s5, $0x0  }
0x1f: {  	s9 =	smul.u32 $0xF7A, s1;
	s8 =	simm.s32 @!p0 $0x1BF5;
	p2 =	por !p2, p0  }
0x20: {  	[sflag:s8] =	ssyncset.s32 @!p0 $0xFFFFF086;
	s6 =	sadd.s32 @!p0 s3, s7;
	s7 =	simm.s32 @!p0 $0x108  }
0x21: {  	s3 =	sadd.s32 s3, s9;
	s6 =	sadd.s32 @!p0 $0x88, s6;
	s7 =	simm.s32 @p2 $0x1082  }
0x22: {  	[simem:s7], [sflag:s8] =	dma.local @!p0 [hbm:s6], $0xF7A  }
0x23: {  	s9 =	sor.u32 $0xD0000000, s2;
	s6 =	simm.s32 $0x108;
	_ =	swait.ge @!p0 [sflag:s8], $0x0  }
0x24: {  	s3 =	sadd.s32 $0x88, s3;
	s6 =	simm.s32 @!p1 $0x1082;
	[sflag:s4] =	ssyncset.s32 $0xFFFFF086  }
0x25: {  	[simem:s6], [sflag:s4] =	dma.local [hbm:s3], $0xF7A  }
0x26: {  	[smem:$0x3F9D] =	sst s1;
	(tag) =	ssettag s2;
	_ =	strace s9  }
0x27: {  	s1 =	sld [smem:$0x3FAD]  }
0x28: {  	s2 =	sld [smem:$0x3FAE]  }
0x29: {  	s4 =	sld [smem:$0x3FB0]  }
0x2a: {  	p0 =	seq.s32 s5, $0x0;
	s5 =	sld [smem:$0x3FB1]  }
0x2b: {  	s6 =	sld [smem:$0x3FB2]  }
0x2c: {  	s7 =	sld [smem:$0x3FB3]  }
0x2d: {  	s3 =	simm.s32 $0x108;
	s8 =	sld [smem:$0x3FB4]  }
0x2e: {  	s3 =	simm.s32 @!p0 $0x1082;
	s9 =	sld [smem:$0x3FB5]  }
0x2f: {  	lr =	sadd.s32 s0, s3;
	s0 =	sld [smem:$0x3FAC]  }
0x30: {  	s3 =	sld [smem:$0x3FAF]  }
0x31: {  	[smem:$0x3FB8] =	sst s10  }
0x32: {  	s10 =	sld [smem:$0x3FB6];
	_ =	sdelay $0x3  }
0x33: {  	p0 =	seq.s32 s10, $0x1;
	s10 =	sld [smem:$0x3FB8];
	_ =	sdelay $0x3  }
0x34: {  	[smem:$0x3FB8] =	sst s10  }
0x35: {  	s10 =	sld [smem:$0x3FB7];
	_ =	sdelay $0x3  }
0x36: {  	p1 =	seq.s32 s10, $0x1;
	s10 =	sld [smem:$0x3FB8];
	_ =	sdelay $0x3  }
0x37: {  	[smem:$0x3FB8] =	sst s10  }
0x38: {  	s10 =	sld [smem:$0x3FB9]  }
0x39: {  	_ = 	snop;
	(pc) =	sbr.ind lr, $3  }
0x3a: {  	_ = 	snop  }
0x3b: {  	_ = 	snop  }
0x3c: {  	p2 =	seq.s32 s10, $0x1;
	s10 =	sld [smem:$0x3FB8]  }
0x3d: {  	_ =	shalt  }
0x3e: {  	_ =	shalt  }
0x3f: {  	_ =	shalt  }
0x40: {  	_ =	shalt  }
0x41: {  	_ =	shalt  }
0x42: {  	_ =	shalt  }
0x43: {  	_ =	shalt  }
0x44: {  	_ =	shalt  }
0x45: {  	_ =	shalt  }
0x46: {  	_ =	shalt  }
0x47: {  	_ =	shalt  }
0x48: {  	_ =	shalt  }
0x49: {  	_ =	shalt  }
0x4a: {  	_ =	shalt  }
0x4b: {  	_ =	shalt  }
0x4c: {  	_ =	shalt  }
0x4d: {  	_ =	shalt  }
0x4e: {  	_ =	shalt  }
0x4f: {  	_ =	shalt  }
0x50: {  	_ =	shalt  }
0x51: {  	_ =	shalt  }
0x52: {  	_ =	shalt  }
0x53: {  	_ =	shalt  }
0x54: {  	_ =	shalt  }
0x55: {  	_ =	shalt  }
0x56: {  	_ =	shalt  }
0x57: {  	_ =	shalt  }
0x58: {  	_ =	shalt  }
0x59: {  	_ =	shalt  }
0x5a: {  	_ =	shalt  }
0x5b: {  	_ =	shalt  }
0x5c: {  	_ =	shalt  }
0x5d: {  	_ =	shalt  }
0x5e: {  	_ =	shalt  }
0x5f: {  	_ =	shalt  }
0x60: {  	_ =	shalt  }
0x61: {  	_ =	shalt  }
0x62: {  	_ =	shalt  }
0x63: {  	_ =	shalt  }
0x64: {  	_ =	shalt  }
0x65: {  	_ =	shalt  }
0x66: {  	_ =	shalt  }
0x67: {  	_ =	shalt  }
0x68: {  	_ =	shalt  }
0x69: {  	_ =	shalt  }
0x6a: {  	_ =	shalt  }
0x6b: {  	_ =	shalt  }
0x6c: {  	_ =	shalt  }
0x6d: {  	_ =	shalt  }
0x6e: {  	_ =	shalt  }
0x6f: {  	_ =	shalt  }
0x70: {  	_ =	shalt  }
0x71: {  	_ =	shalt  }
0x72: {  	_ =	shalt  }
0x73: {  	_ =	shalt  }
0x74: {  	_ =	shalt  }
0x75: {  	_ =	shalt  }
0x76: {  	_ =	shalt  }
0x77: {  	_ =	shalt  }
0x78: {  	_ =	shalt  }
0x79: {  	_ =	shalt  }
0x7a: {  	_ =	shalt  }
0x7b: {  	_ =	shalt  }
0x7c: {  	_ =	shalt  }
0x7d: {  	_ =	shalt  }
0x7e: {  	_ =	shalt  }
0x7f: {  	_ =	shalt  }
0x80: {  	_ =	shalt  }
0x81: {  	_ =	shalt  }
0x82: {  	_ =	shalt  }
0x83: {  	_ =	shalt  }
0x84: {  	_ =	shalt  }
0x85: {  	_ =	shalt  }
0x86: {  	_ =	shalt  }
0x87: {  	_ =	shalt  }
.Lfunc_end0:
.L_simem_size_0:
called_computation_lowered:
.L_overlay_start_0:
0x88: {  	s2 =	sld [smem:$0x3FD9]  }
0x89: {  	s3 =	sld [smem:$0x3FFE];
	_ =	sdelay $0x1  }
0x8a: {  	s1 =	srdreg.scid  }
0x8b: {  	s0 =	sand.u32 $0x1, s1  }
0x8c: {  	s17 =	sshll.u32 s0, $0xA;
	s2 =	sadd.s32 s3, s2  }
0x8d: {  	s2 =	sadd.s32 s2, s17  }
0x8e: {  	[smem:$0x3FC4] =	sst s2  }
0x8f: {  	_ = 	snop  }
0x90: {  	s2 =	sld [smem:$0x3FC6]  }
0x91: {  	s18 =	sld [smem:$0x3FD0];
	(tm) =	ssettm $0x1  }
0x92: {  	s4 =	sld [smem:$0x3FFB];
	_ =	sdelay $0x3  }
0x93: {  	_ =	strace s4  }
0x94: {  	s4 =	sld [smem:$0x3FFC];
	_ =	sdelay $0x3  }
0x95: {  	_ =	strace s4  }
0x96: {  	s4 =	sld [smem:$0x3FFD];
	_ =	sdelay $0x3  }
0x97: {  	_ =	strace s4  }
0x98: {  	_ =	strace $0x8FFFFFFF  }
0x99: {  	s19 =	sld [smem:$0x3FDB];
	_ =	sdelay $0x1  }
0x9a: {  	s5 =	simm.s32 $_scs_section_size  }
0x9b: {  	s6 =	simm.s32 $_size__tile_overlayer_lowered;
	s7 =	simm.s32 $_tile_overlayer_lowered  }
0x9c: {  	s22 =	simm.s32 $0x1BFF;
	s21 =	sshll.u32 s7, $0x1;
	s4 =	sadd.s32 s5, s19  }
0x9d: {  	s8 =	simm.s32 $0x0;
	s20 =	sshll.u32 s6, $0x1;
	s6 =	sadd.s32 s21, s4  }
0x9e: {  	[timem:s8], [sflag:s22] =	dma.local [hbm:s6], s20  }
0x9f: {  	_ =	swait.ge [sflag:s22], s20  }
0xa0: {  	s5 =	ssub.s32 $0x0, s20;
	[sflag:s22] =	ssyncset.done $0x0  }
0xa1: {  	[sflag:s22] =	ssyncadd.s32 s5;
	_ =	sdelay $0x1  }
0xa2: {  	s23 =	simm.s32 $0x1B8B  }
0xa3: {  	_ =	swait.ge [sflag:s23], $0x1  }
0xa4: {  	[sflag:s23] =	ssyncset.done $0x0  }
0xa5: {  	s25 =	simm.s32 $0x1B8E;
	s24 =	sld [smem:$0x3FFE];
	[sflag:s23] =	ssyncadd.s32 $0xFFFFFFFF  }
0xa6: {  	s26 =	simm.s32 $execute0_lowered;
	[smem:$0x3FD2] =	sst s25  }
0xa7: {  	s6 =	sshll.u32 s26, $0x1;
	_ =	strace $0x80000046;
	[dreg:$0x1] =	wrdreg $0xFFFFFFFF  }
0xa8: {  	s28 =	simm.s32 $_size_execute0_lowered;
	s4 =	sadd.s32 s4, s6;
	[dreg:$0x0] =	wrdreg $0x0  }
0xa9: {  	s6 =	sshll.u32 s28, $0x1;
	[dreg:$0x2] =	wrdreg s4  }
0xaa: {  	[dreg:$0x3] =	wrdreg s6  }
0xab: {  	[dreg:$0x4] =	wrdreg $0xC0  }
0xac: {  	_ =	task [dreg:s8], $0x5FFFF  }
0xad: {  	[dreg:$0x1] =	wrdreg $0xFFFFFFFF  }
0xae: {  	[dreg:$0x0] =	wrdreg $0x60  }
0xaf: {  	[dreg:$0x2] =	wrdreg s24  }
0xb0: {  	[dreg:$0x3] =	wrdreg s2  }
0xb1: {  	[dreg:$0x4] =	wrdreg s18  }
0xb2: {  	[dreg:$0x5] =	wrdreg $0x9  }
0xb3: {  	_ =	task.clear_ibuf [dreg:s8], $0x6FFFF;
	_ =	strace $0x90000046  }
0xb4: {  	s29 =	simm.s32 $0x9;
	_ =	strace $0x80000048  }
0xb5: {  	_ =	swait.ge [sflag:s29], $0x1  }
0xb6: {  	[sflag:s29] =	ssyncadd.s32 $0xFFFFFFFF  }
0xb7: {  	_ =	strace $0x90000048  }
0xb8: {  	_ =	sfence  }
0xb9: {  	s30 =	sld [smem:$0x0];
	_ =	sdelay $0x2  }
0xba: {  	s31 =	sshll.u32 s1, $0xD;
	s1 =	sshrl.u32 s1, $0x2  }
0xbb: {  	s3 =	sand.u32 $0x4000, s31;
	s1 =	sadd.s32 s1, s30  }
0xbc: {  	s0 =	sor.u32 s3, s0;
	s1 =	sshll.u32 s1, $0x11  }
0xbd: {  	s0 =	sor.u32 s1, s0  }
0xbe: {  	s0 =	sadd.s32 $0x8F2B, s0  }
0xbf: {  	[sflag:s0] =	ssyncadd.remote.s32 $0x1  }
0xc0: {  	_ =	sfence.sel $0xFFFF  }
0xc1: {  	[dreg:$0x0] =	wrdreg $0xFFFFFFFF;
	(pc) =	sbr.abs _section_cstart, $3  }
0xc2: {  	[dreg:$0x1] =	wrdreg $0xFFFFFFFF  }
0xc3: {  	_ =	task.clear_ibuf [dreg:s8], $0x2FFFF;
	_ =	strace $0x9FFFFFFF  }
0xc4: {  	(tm) =	ssettm $0x7FFFFFFF  }
0xc5: {  	_ =	shalt  }
tec
execute0_lowered:
.L_overlay_start_1:
0x0: {  	(tag) =	ssettag $0x1  }
0x1: {  	s5 =	rddreg [dreg:$0x0]  }
0x2: {  	s2 =	rddreg [dreg:$0x1];
	s1 =	srdreg.scid  }
0x3: {  	s0 =	stileid.u32;
	s3 =	rddreg [dreg:$0x2];
	s4 =	simm.s32 $0x0  }
0x4: {  	s13 =	simm.s32 $0x8000;
	s14 =	simm.s32 $0x1;
	s15 =	simm.s32 $0x2  }
0x5: {  	s16 =	simm.s32 $0x3;
	s17 =	simm.s32 $0x4;
	s18 =	simm.s32 $0x0  }
0x6: {  	s6 =	sand.u32 $0x1, s1;
	s7 =	sshll.u32 s0, $0x1;
	s1 =	rddreg [dreg:$0x3]  }
0x7: {  	[smem:$0x7FF] =	sst s4;
	s12 =	sadd.s32 $0xC00, s5;
	s11 =	sor.u32 s6, s7  }
0x8: {  	_ =	strace $0x80000047;
	s6 =	ssub.s32 $0x2, s6;
	s7 =	sshll.u32 s11, $0x14  }
0x9: {  	s31 =	sshrl.u32 s6, $0x1;
	s8 =	sshll.u32 s11, $0x11;
	p0 =	seq.s32 s11, $0x0  }
0xa: {  	s7 =	sadd.s32 $0xFFFF8000, s7;
	s10 =	ssub.s32 s6, s31;
	s6 =	sadd.s32 s2, s8  }
0xb: {  	s11 =	simm.s32 $0x10000;
	s7 =	sshrl.u32 s7, $0x3;
	s9 =	sadd.s32 $0x2000, s6  }
0xc: {  	s10 =	smax.u32 s10, $0x1;
	s5 =	sadd.s32 s2, s7;
	s7 =	sor.u32 $0x1000, s8  }
0xd: {  	s8 =	sadd.s32 s3, s8;
	s5 =	smov.u32 @p0 s12;
	s12 =	simm.s32 $0x5  }
.LBB2_1:
0xe: {  	[tilespmem:s11], [sflag:$0x5] =	stream.linear.gather [hbm4b:s5+s4], $0x8000, $0x38;
	[tilespmem:$0x19000] =	vst v63  }
0xf: {  	_ = 	snop  }
0x10: {  	[tilespmem:s4], [sflag:$0x1] =	stream.linear.gather [hbm4b:s6+s4], $0x8000, $0x38;
	[tilespmem:$0x19000] =	vst v63  }
0x11: {  	_ =	swait.ge [sflag:s12], $0x8000  }
0x12: {  	[sflag:s12] =	ssyncset.done $0x0  }
0x13: {  	s19 =	simm.s32 $0x103F0;
	[sflag:s12] =	ssyncadd.s32 $0xFFFF8000  }
0x14: {  	v3 =	vld [tilespmem:s19+$0x0]  }
0x15: {  	v4 =	vld [tilespmem:s19+$0xFFFFFFA0]  }
0x16: {  	v5 =	vld [tilespmem:s19+$0xFFFFFFB0]  }
0x17: {  	v0 =	vld [tilespmem:s19+$0xFFFFFFC0]  }
0x18: {  	s20 =	simm.s32 $0x18040;
	v1 =	vld [tilespmem:s19+$0xFFFFFFD0]  }
0x19: {  	v2 =	vld [tilespmem:s19+$0xFFFFFFE0];
	[tilespmem:s20+$0x30] =	vst v3  }
0x1a: {  	[tilespmem:s20+$0xFFFFFFD0] =	vst v4;
	v3 =	vld [tilespmem:s19+$0xFFFFFFF0]  }
0x1b: {  	s21 =	simm.s32 $0x0;
	s22 =	simm.s32 $0x107F0;
	v4 =	vld [tilespmem:s19+$0xFFFFFF90];
	[tilespmem:s20+$0xFFFFFFE0] =	vst v5  }
.LBB2_2:
0x1c: {  	v5 =	vld [tilespmem:s22+$0x0];
	s21 =	sadd.s32 $0x8, s21;
	[tilespmem:s20+$0xFFFFFFF0] =	vst v0  }
0x1d: {  	v6 =	vld [tilespmem:s22+$0xFFFFFFA0];
	p0 =	slt.u32 s21, $0xF8;
	[tilespmem:s20+$0x0] =	vst v1  }
0x1e: {  	v7 =	vld [tilespmem:s22+$0xFFFFFFB0];
	[tilespmem:s20+$0x10] =	vst v2  }
.Ltmp0:
0x1f: {  	v0 =	vld [tilespmem:s22+$0xFFFFFFC0];
	[tilespmem:s20+$0x20] =	vst v3;
	(pc) =	sbr.rel @p0 .LBB2_2-.Ltmp0, $4  }
0x20: {  	v1 =	vld [tilespmem:s22+$0xFFFFFFD0];
	[tilespmem:s20+$0xFFFFFFC0] =	vst v4;
	s20 =	sadd.s32 $0x80, s20  }
0x21: {  	s19 =	simm.s32 $0x0;
	v2 =	vld [tilespmem:s22+$0xFFFFFFE0];
	[tilespmem:s20+$0x30] =	vst v5  }
0x22: {  	[tilespmem:s20+$0xFFFFFFD0] =	vst v6;
	v3 =	vld [tilespmem:s22+$0xFFFFFFF0]  }
0x23: {  	v4 =	vld [tilespmem:s22+$0xFFFFFF90];
	[tilespmem:s20+$0xFFFFFFE0] =	vst v7;
	s22 =	sadd.s32 $0x400, s22  }
0x24: {  	[tilespmem:s20+$0xFFFFFFF0] =	vst v0  }
0x25: {  	[tilespmem:s20+$0x0] =	vst v1  }
0x26: {  	[tilespmem:s20+$0x10] =	vst v2  }
0x27: {  	[tilespmem:s20+$0x20] =	vst v3  }
0x28: {  	[tilespmem:s20+$0xFFFFFFC0] =	vst v4  }
.LBB2_4:
0x29: {  	p0 =	seq.s32 s19, $0x0  }
0x2a: {  	s22 =	simm.s32 @!p0 $0x4  }
0x2b: {  	s21 =	sshll.u32 s19, $0xD;
	_ =	swait.ge @!p0 [sflag:s22], $0x8000  }
0x2c: {  	s20 =	sadd.s32 s7, s21;
	[sflag:s22] =	ssyncset.done @!p0 $0x0  }
0x2d: {  	s31 =	sadd.s32 s2, s20;
	[sflag:s22] =	ssyncadd.s32 @!p0 $0xFFFF8000  }
0x2e: {  	[tilespmem:s13], [sflag:$0x2] =	stream.linear.gather [hbm4b:s31+s4], $0x8000, $0x38;
	[tilespmem:$0x19000] =	vst v63  }
0x2f: {  	_ =	swait.ge [sflag:s14], $0x8000  }
0x30: {  	[sflag:s14] =	ssyncset.done $0x0  }
0x31: {  	s22 =	simm.s32 $0x18040;
	[sflag:s14] =	ssyncadd.s32 $0xFFFF8000  }
0x32: {  	s23 =	simm.s32 $0x200;
	v0 =	vld [tilespmem:s22+$0x30]  }
0x33: {  	v1 =	vld [tilespmem:s23+$0xFFFFFE70]  }
0x34: {  	v2 =	vld [tilespmem:s23+$0xFFFFFEF0]  }
0x35: {  	v3 =	vld [tilespmem:s23+$0xFFFFFF70]  }
0x36: {  	v8 =	vld [tilespmem:s23+$0xFFFFFFF0]  }
0x37: {  	v9 =	vld [tilespmem:s23+$0x70]  }
0x38: {  	v10 =	vld [tilespmem:s23+$0xFFFFFE00]  }
0x39: {  	v11 =	vld [tilespmem:s23+$0xF0]  }
0x3a: {  	v12 =	vld [tilespmem:s23+$0x170]  }
0x3b: {  	v13 =	vld [tilespmem:s23+$0x1F0]  }
0x3c: {  	v14 =	vld [tilespmem:s23+$0xFFFFFE80];
	v16 =	vmul.f32 $8.999999760e-01, v1  }
0x3d: {  	v15 =	vld [tilespmem:s23+$0xFFFFFF00];
	v0 =	vmul.f32 $1.000000010e-01, v0;
	v17 =	vmul.f32 $8.999999760e-01, v2  }
0x3e: {  	v4 =	vld [tilespmem:s23+$0xFFFFFF80];
	v1 =	vmul.f32 $1.000000010e-01, v1;
	v18 =	vmul.f32 $8.999999760e-01, v3  }
0x3f: {  	v5 =	vld [tilespmem:s23+$0x0];
	v2 =	vmul.f32 $1.000000010e-01, v2;
	v19 =	vmul.f32 $8.999999760e-01, v8  }
0x40: {  	v7 =	vld [tilespmem:s23+$0x80];
	v3 =	vmul.f32 $1.000000010e-01, v3;
	v20 =	vmul.f32 $1.000000010e-01, v10  }
0x41: {  	v6 =	vld [tilespmem:s23+$0x100];
	v8 =	vmul.f32 $1.000000010e-01, v8;
	v16 =	vadd.f32 v16, v0;
	v1 =	vadd.f32 v17, v1  }
0x42: {  	v21 =	vld [tilespmem:s22+$0xFFFFFFD0];
	v17 =	vmul.f32 $8.999999760e-01, v9;
	v2 =	vadd.f32 v18, v2;
	v18 =	vmul.f32 $8.999999760e-01, v11  }
0x43: {  	v22 =	vld [tilespmem:s23+$0xFFFFFE10];
	v3 =	vadd.f32 v19, v3;
	v9 =	vmul.f32 $1.000000010e-01, v9;
	v11 =	vmul.f32 $1.000000010e-01, v11;
	[tilespmem:s23+$0xFFFFFE70] =	vst v16  }
0x44: {  	v23 =	vld [tilespmem:s23+$0xFFFFFF10];
	v16 =	vmul.f32 $8.999999760e-01, v12;
	[tilespmem:s23+$0xFFFFFEF0] =	vst v1;
	v8 =	vadd.f32 v17, v8;
	v17 =	vmul.f32 $8.999999760e-01, v13  }
0x45: {  	v19 =	vld [tilespmem:s23+$0xFFFFFE90];
	[tilespmem:s23+$0xFFFFFF70] =	vst v2;
	v2 =	vadd.f32 v18, v9;
	v9 =	vmul.f32 $1.000000010e-01, v12;
	v1 =	vmul.f32 $8.999999760e-01, v10  }
0x46: {  	v0 =	vld [tilespmem:s23+$0x180];
	[tilespmem:s23+$0xFFFFFFF0] =	vst v3;
	v3 =	vmul.f32 $8.999999760e-01, v14;
	v12 =	vmul.f32 $8.999999760e-01, v15  }
0x47: {  	v10 =	vld [tilespmem:s23+$0xFFFFFF90];
	v14 =	vmul.f32 $1.000000010e-01, v14;
	v11 =	vadd.f32 v16, v11;
	v9 =	vadd.f32 v17, v9  }
0x48: {  	v18 =	vld [tilespmem:s23+$0x90];
	[tilespmem:s23+$0x70] =	vst v8;
	v17 =	vmul.f32 $8.999999760e-01, v4;
	v8 =	vadd.f32 v3, v20;
	v3 =	vmul.f32 $1.000000010e-01, v21  }
0x49: {  	v16 =	vld [tilespmem:s23+$0x10];
	[tilespmem:s23+$0xF0] =	vst v2;
	v20 =	vmul.f32 $8.999999760e-01, v22;
	v4 =	vmul.f32 $1.000000010e-01, v4  }
0x4a: {  	v21 =	vld [tilespmem:s23+$0x110];
	v2 =	vadd.f32 v12, v14;
	v12 =	vmul.f32 $8.999999760e-01, v19;
	[tilespmem:s23+$0x170] =	vst v11;
	v11 =	vmul.f32 $1.000000010e-01, v22  }
0x4b: {  	v14 =	vld [tilespmem:s23+$0x190];
	[tilespmem:s23+$0x1F0] =	vst v9;
	v9 =	vmul.f32 $1.000000010e-01, v19;
	v19 =	vmul.f32 $8.999999760e-01, v23  }
0x4c: {  	v3 =	vadd.f32 v20, v3;
	v20 =	vld [tilespmem:s22+$0xFFFFFFE0];
	[tilespmem:s22+$0x30] =	vst v13;
	v13 =	vmul.f32 $1.000000010e-01, v23;
	v23 =	vmul.f32 $8.999999760e-01, v5  }
0x4d: {  	v22 =	vld [tilespmem:s23+$0xFFFFFE20];
	v11 =	vadd.f32 v12, v11;
	v12 =	vmul.f32 $8.999999760e-01, v10;
	v10 =	vmul.f32 $1.000000010e-01, v10  }
0x4e: {  	[tilespmem:s23+$0xFFFFFE10] =	vst v3;
	v3 =	vadd.f32 v19, v9;
	v19 =	vld [tilespmem:s23+$0xFFFFFEA0];
	v9 =	vmul.f32 $8.999999760e-01, v16;
	v16 =	vmul.f32 $1.000000010e-01, v16  }
0x4f: {  	v4 =	vadd.f32 v23, v4;
	v23 =	vld [tilespmem:s23+$0x1C0];
	[tilespmem:s23+$0xFFFFFE90] =	vst v11;
	v11 =	vadd.f32 v12, v13;
	v12 =	vmul.f32 $8.999999760e-01, v18  }
0x50: {  	v13 =	vld [tilespmem:s23+$0xFFFFFF20];
	v18 =	vmul.f32 $1.000000010e-01, v18;
	[tilespmem:s23+$0xFFFFFF10] =	vst v3;
	v3 =	vadd.f32 v9, v10;
	v9 =	vmul.f32 $8.999999760e-01, v21  }
0x51: {  	v10 =	vld [tilespmem:s23+$0xFFFFFFA0];
	v21 =	vmul.f32 $1.000000010e-01, v21;
	[tilespmem:s23+$0xFFFFFF90] =	vst v11;
	v11 =	vadd.f32 v12, v16;
	v12 =	vmul.f32 $8.999999760e-01, v14  }
0x52: {  	v15 =	vmul.f32 $1.000000010e-01, v15;
	v16 =	vld [tilespmem:s23+$0x20];
	[tilespmem:s23+$0x10] =	vst v3;
	v9 =	vadd.f32 v9, v18  }
0x53: {  	v20 =	vmul.f32 $1.000000010e-01, v20;
	v18 =	vld [tilespmem:s23+$0xA0];
	[tilespmem:s23+$0x90] =	vst v11;
	v11 =	vadd.f32 v12, v21;
	v12 =	vmul.f32 $8.999999760e-01, v22  }
0x54: {  	v3 =	vadd.f32 v17, v15;
	v15 =	vmul.f32 $1.000000010e-01, v22;
	v21 =	vld [tilespmem:s23+$0x120];
	[tilespmem:s23+$0x110] =	vst v9;
	v9 =	vmul.f32 $8.999999760e-01, v19  }
0x55: {  	v17 =	vld [tilespmem:s23+$0x1A0];
	v19 =	vmul.f32 $1.000000010e-01, v19;
	[tilespmem:s23+$0x190] =	vst v11;
	v11 =	vadd.f32 v12, v20;
	v12 =	vmul.f32 $8.999999760e-01, v13  }
0x56: {  	v20 =	vld [tilespmem:s22+$0xFFFFFFF0];
	v13 =	vmul.f32 $1.000000010e-01, v13;
	[tilespmem:s22+$0xFFFFFFD0] =	vst v14;
	v9 =	vadd.f32 v9, v15;
	v14 =	vmul.f32 $8.999999760e-01, v10  }
0x57: {  	v15 =	vld [tilespmem:s23+$0xFFFFFE30];
	v10 =	vmul.f32 $1.000000010e-01, v10;
	[tilespmem:s23+$0xFFFFFE20] =	vst v11;
	v11 =	vadd.f32 v12, v19;
	v12 =	vmul.f32 $8.999999760e-01, v16  }
0x58: {  	v19 =	vld [tilespmem:s23+$0xFFFFFEB0];
	v16 =	vmul.f32 $1.000000010e-01, v16;
	[tilespmem:s23+$0xFFFFFEA0] =	vst v9;
	v9 =	vadd.f32 v14, v13;
	v13 =	vmul.f32 $8.999999760e-01, v18  }
0x59: {  	v14 =	vld [tilespmem:s23+$0xFFFFFF30];
	v18 =	vmul.f32 $1.000000010e-01, v18;
	[tilespmem:s23+$0xFFFFFF20] =	vst v11;
	v10 =	vadd.f32 v12, v10;
	v11 =	vmul.f32 $8.999999760e-01, v21  }
0x5a: {  	v12 =	vld [tilespmem:s23+$0xFFFFFFB0];
	v21 =	vmul.f32 $1.000000010e-01, v21;
	[tilespmem:s23+$0xFFFFFFA0] =	vst v9;
	v9 =	vadd.f32 v13, v16;
	v13 =	vmul.f32 $8.999999760e-01, v17  }
0x5b: {  	v5 =	vmul.f32 $1.000000010e-01, v5;
	v16 =	vld [tilespmem:s23+$0x30];
	[tilespmem:s23+$0x20] =	vst v10;
	v11 =	vadd.f32 v11, v18  }
0x5c: {  	v20 =	vmul.f32 $1.000000010e-01, v20;
	v18 =	vld [tilespmem:s23+$0xB0];
	[tilespmem:s23+$0xA0] =	vst v9;
	v9 =	vadd.f32 v13, v21;
	v13 =	vmul.f32 $8.999999760e-01, v15  }
0x5d: {  	v21 =	vld [tilespmem:s23+$0x130];
	v15 =	vmul.f32 $1.000000010e-01, v15;
	[tilespmem:s23+$0x120] =	vst v11;
	v11 =	vmul.f32 $8.999999760e-01, v19  }
0x5e: {  	v22 =	vld [tilespmem:s23+$0x1B0];
	v19 =	vmul.f32 $1.000000010e-01, v19;
	[tilespmem:s23+$0x1A0] =	vst v9;
	v9 =	vadd.f32 v13, v20;
	v13 =	vmul.f32 $8.999999760e-01, v14  }
0x5f: {  	v20 =	vld [tilespmem:s22+$0x0];
	v14 =	vmul.f32 $1.000000010e-01, v14;
	[tilespmem:s22+$0xFFFFFFE0] =	vst v17;
	v11 =	vadd.f32 v11, v15;
	v15 =	vmul.f32 $8.999999760e-01, v12  }
0x60: {  	v17 =	vld [tilespmem:s23+$0xFFFFFE40];
	v12 =	vmul.f32 $1.000000010e-01, v12;
	[tilespmem:s23+$0xFFFFFE30] =	vst v9;
	v9 =	vadd.f32 v13, v19;
	v13 =	vmul.f32 $8.999999760e-01, v16  }
0x61: {  	v19 =	vld [tilespmem:s23+$0xFFFFFEC0];
	v16 =	vmul.f32 $1.000000010e-01, v16;
	[tilespmem:s23+$0xFFFFFEB0] =	vst v11;
	v11 =	vadd.f32 v15, v14;
	v14 =	vmul.f32 $8.999999760e-01, v18  }
0x62: {  	v15 =	vld [tilespmem:s23+$0xFFFFFF40];
	v18 =	vmul.f32 $1.000000010e-01, v18;
	[tilespmem:s23+$0xFFFFFF30] =	vst v9;
	v9 =	vadd.f32 v13, v12;
	v12 =	vmul.f32 $8.999999760e-01, v21  }
0x63: {  	v13 =	vld [tilespmem:s23+$0xFFFFFFC0];
	v21 =	vmul.f32 $1.000000010e-01, v21;
	[tilespmem:s23+$0xFFFFFFB0] =	vst v11;
	v11 =	vadd.f32 v14, v16;
	v14 =	vmul.f32 $8.999999760e-01, v22  }
0x64: {  	v10 =	vmul.f32 $8.999999760e-01, v7;
	v7 =	vmul.f32 $1.000000010e-01, v7;
	v16 =	vld [tilespmem:s23+$0x40];
	[tilespmem:s23+$0x30] =	vst v9;
	v12 =	vadd.f32 v12, v18  }
0x65: {  	v20 =	vmul.f32 $1.000000010e-01, v20;
	v18 =	vld [tilespmem:s23+$0xC0];
	[tilespmem:s23+$0xB0] =	vst v11;
	v11 =	vadd.f32 v14, v21;
	v14 =	vmul.f32 $8.999999760e-01, v17  }
0x66: {  	v5 =	vadd.f32 v10, v5;
	v10 =	vmul.f32 $1.000000010e-01, v17;
	v21 =	vld [tilespmem:s23+$0x140];
	[tilespmem:s23+$0x130] =	vst v12;
	v12 =	vmul.f32 $8.999999760e-01, v19  }
0x67: {  	v17 =	vmul.f32 $1.000000010e-01, v19;
	v19 =	vld [tilespmem:s22+$0x10];
	[tilespmem:s23+$0x1B0] =	vst v11;
	v11 =	vadd.f32 v14, v20;
	v14 =	vmul.f32 $8.999999760e-01, v15  }
0x68: {  	v15 =	vmul.f32 $1.000000010e-01, v15;
	v20 =	vld [tilespmem:s23+$0xFFFFFE50];
	[tilespmem:s22+$0xFFFFFFF0] =	vst v22;
	v10 =	vadd.f32 v12, v10;
	v12 =	vmul.f32 $8.999999760e-01, v13  }
0x69: {  	v13 =	vmul.f32 $1.000000010e-01, v13;
	[tilespmem:s23+$0xFFFFFE40] =	vst v11;
	v11 =	vadd.f32 v14, v17;
	v14 =	vmul.f32 $8.999999760e-01, v16;
	v17 =	vld [tilespmem:s23+$0xFFFFFED0]  }
0x6a: {  	v16 =	vmul.f32 $1.000000010e-01, v16;
	[tilespmem:s23+$0xFFFFFEC0] =	vst v10;
	v10 =	vadd.f32 v12, v15;
	v12 =	vmul.f32 $8.999999760e-01, v18;
	v15 =	vld [tilespmem:s23+$0xFFFFFF50]  }
0x6b: {  	v18 =	vmul.f32 $1.000000010e-01, v18;
	[tilespmem:s23+$0xFFFFFF40] =	vst v11;
	v11 =	vadd.f32 v14, v13;
	v13 =	vmul.f32 $8.999999760e-01, v21;
	v14 =	vld [tilespmem:s23+$0xFFFFFFD0]  }
0x6c: {  	v21 =	vmul.f32 $1.000000010e-01, v21;
	[tilespmem:s23+$0xFFFFFFC0] =	vst v10;
	v10 =	vadd.f32 v12, v16;
	v12 =	vmul.f32 $8.999999760e-01, v23;
	v16 =	vld [tilespmem:s23+$0x50]  }
0x6d: {  	[tilespmem:s23+$0x40] =	vst v11;
	v11 =	vadd.f32 v13, v18;
	v13 =	vmul.f32 $1.000000010e-01, v19;
	v18 =	vmul.f32 $8.999999760e-01, v20;
	v19 =	vld [tilespmem:s23+$0xD0]  }
0x6e: {  	v22 =	vld [tilespmem:s23+$0x150];
	v20 =	vmul.f32 $1.000000010e-01, v20;
	[tilespmem:s23+$0xC0] =	vst v10;
	v12 =	vadd.f32 v12, v21;
	v21 =	vmul.f32 $8.999999760e-01, v17  }
0x6f: {  	v10 =	vld [tilespmem:s23+$0x1D0];
	[tilespmem:s23+$0x140] =	vst v11;
	v11 =	vmul.f32 $1.000000010e-01, v17;
	v13 =	vadd.f32 v18, v13;
	v17 =	vmul.f32 $8.999999760e-01, v15  }
0x70: {  	[tilespmem:s23+$0x1C0] =	vst v12;
	v12 =	vmul.f32 $1.000000010e-01, v15;
	v15 =	vadd.f32 v21, v20;
	v18 =	vmul.f32 $8.999999760e-01, v14;
	v20 =	vld [tilespmem:s22+$0x20]  }
0x71: {  	v14 =	vmul.f32 $1.000000010e-01, v14;
	v21 =	vld [tilespmem:s23+$0xFFFFFF60];
	[tilespmem:s23+$0xFFFFFE50] =	vst v13;
	v11 =	vadd.f32 v17, v11;
	v13 =	vmul.f32 $8.999999760e-01, v16  }
0x72: {  	v17 =	vld [tilespmem:s23+$0xFFFFFE60];
	v16 =	vmul.f32 $1.000000010e-01, v16;
	[tilespmem:s23+$0xFFFFFED0] =	vst v15;
	v12 =	vadd.f32 v18, v12;
	v15 =	vmul.f32 $8.999999760e-01, v19  }
0x73: {  	v18 =	vld [tilespmem:s23+$0xFFFFFEE0];
	v19 =	vmul.f32 $1.000000010e-01, v19;
	[tilespmem:s23+$0xFFFFFF50] =	vst v11;
	v11 =	vadd.f32 v13, v14;
	v13 =	vmul.f32 $8.999999760e-01, v22  }
0x74: {  	v9 =	vmul.f32 $8.999999760e-01, v6;
	v14 =	vmul.f32 $1.000000010e-01, v22;
	[tilespmem:s23+$0xFFFFFFD0] =	vst v12;
	v12 =	vadd.f32 v15, v16  }
0x75: {  	[tilespmem:s22+$0x0] =	vst v23;
	v22 =	vld [tilespmem:s23+$0xFFFFFFE0];
	v15 =	vmul.f32 $8.999999760e-01, v10;
	v16 =	vmul.f32 $8.999999760e-01, v0;
	v13 =	vadd.f32 v13, v19  }
0x76: {  	s25 =	simm.s32 $0x180C0;
	s26 =	simm.s32 $0x200;
	[tilespmem:s23+$0x50] =	vst v11;
	v11 =	vld [tilespmem:s23+$0x60];
	v19 =	vmul.f32 $1.000000010e-01, v6;
	v20 =	vmul.f32 $1.000000010e-01, v20;
	v6 =	vadd.f32 v9, v7  }
0x77: {  	[tilespmem:s23+$0xD0] =	vst v12;
	v14 =	vadd.f32 v15, v14;
	v12 =	vld [tilespmem:s23+$0xE0];
	v9 =	vmul.f32 $8.999999760e-01, v17;
	v24 =	vmul.f32 $1.000000010e-01, v17  }
0x78: {  	v17 =	vmul.f32 $1.000000010e-01, v21;
	[tilespmem:s23+$0x150] =	vst v13;
	v13 =	vld [tilespmem:s23+$0x160];
	v7 =	vadd.f32 v16, v19;
	v25 =	vmul.f32 $8.999999760e-01, v18  }
0x79: {  	v16 =	vmul.f32 $1.000000010e-01, v18;
	v19 =	vmul.f32 $8.999999760e-01, v21;
	[tilespmem:s23+$0x1D0] =	vst v14;
	v14 =	vadd.f32 v9, v20;
	v9 =	vld [tilespmem:s23+$0x1E0]  }
0x7a: {  	s24 =	simm.s32 $0x0;
	v15 =	vld [tilespmem:s22+$0xFFFFFFC0];
	[tilespmem:s23+$0xFFFFFE80] =	vst v8;
	v20 =	vmul.f32 $8.999999760e-01, v22;
	v18 =	vmul.f32 $1.000000010e-01, v22;
	v8 =	vadd.f32 v25, v24  }
.LBB2_5:
0x7b: {  	v21 =	vld [tilespmem:s25+$0x30];
	[tilespmem:s23+$0xFFFFFF00] =	vst v2;
	v16 =	vadd.f32 v19, v16;
	v2 =	vmul.f32 $8.999999760e-01, v11;
	s26 =	sadd.s32 $0x400, s26  }
0x7c: {  	v11 =	vmul.f32 $1.000000010e-01, v11;
	v19 =	vld [tilespmem:s26+$0xFFFFFE70];
	[tilespmem:s23+$0xFFFFFF80] =	vst v3;
	v17 =	vadd.f32 v20, v17;
	v3 =	vmul.f32 $8.999999760e-01, v12  }
0x7d: {  	v20 =	vld [tilespmem:s26+$0xFFFFFEF0];
	[tilespmem:s23+$0x0] =	vst v4;
	v18 =	vadd.f32 v2, v18;
	v2 =	vmul.f32 $8.999999760e-01, v13;
	v4 =	vmul.f32 $1.000000010e-01, v12  }
0x7e: {  	v12 =	vld [tilespmem:s26+$0xFFFFFF70];
	[tilespmem:s23+$0x80] =	vst v5;
	v11 =	vadd.f32 v3, v11;
	v3 =	vmul.f32 $8.999999760e-01, v9;
	v5 =	vmul.f32 $1.000000010e-01, v13  }
0x7f: {  	v13 =	vld [tilespmem:s26+$0xFFFFFFF0];
	v15 =	vmul.f32 $1.000000010e-01, v15;
	[tilespmem:s23+$0x100] =	vst v6;
	v22 =	vadd.f32 v2, v4  }
0x80: {  	v2 =	vld [tilespmem:s26+$0x70];
	[tilespmem:s23+$0x180] =	vst v7;
	v23 =	vadd.f32 v3, v5  }
0x81: {  	v3 =	vld [tilespmem:s26+$0xFFFFFE00];
	v4 =	vmul.f32 $8.999999760e-01, v19;
	v1 =	vadd.f32 v1, v15;
	[tilespmem:s22+$0x10] =	vst v10  }
0x82: {  	v5 =	vmul.f32 $1.000000010e-01, v21;
	v6 =	vmul.f32 $8.999999760e-01, v20;
	v7 =	vld [tilespmem:s26+$0xF0];
	[tilespmem:s23+$0xFFFFFE60] =	vst v14  }
0x83: {  	v10 =	vmul.f32 $1.000000010e-01, v19;
	v14 =	vmul.f32 $8.999999760e-01, v12;
	v15 =	vld [tilespmem:s26+$0x170];
	[tilespmem:s23+$0xFFFFFE00] =	vst v1  }
0x84: {  	v1 =	vadd.f32 v4, v5;
	v4 =	vmul.f32 $1.000000010e-01, v20;
	v5 =	vmul.f32 $8.999999760e-01, v13;
	v19 =	vld [tilespmem:s26+$0x1F0];
	[tilespmem:s22+$0xFFFFFFC0] =	vst v0  }
0x85: {  	s24 =	sadd.s32 $0x8, s24;
	v6 =	vadd.f32 v6, v10;
	v10 =	vmul.f32 $1.000000010e-01, v12;
	v0 =	vld [tilespmem:s26+$0xFFFFFE80];
	v12 =	vmul.f32 $8.999999760e-01, v2;
	[tilespmem:s23+$0xFFFFFEE0] =	vst v8  }
0x86: {  	p0 =	slt.u32 s24, $0xF8;
	v8 =	vmul.f32 $1.000000010e-01, v3;
	v20 =	vld [tilespmem:s26+$0xFFFFFF00];
	[tilespmem:s26+$0xFFFFFE70] =	vst v1;
	v1 =	vadd.f32 v14, v4;
	v4 =	vmul.f32 $1.000000010e-01, v13  }
0x87: {  	v2 =	vmul.f32 $1.000000010e-01, v2;
	v5 =	vadd.f32 v5, v10;
	v13 =	vld [tilespmem:s26+$0xFFFFFF80];
	[tilespmem:s26+$0xFFFFFEF0] =	vst v6;
	v6 =	vmul.f32 $8.999999760e-01, v7  }
0x88: {  	v7 =	vmul.f32 $1.000000010e-01, v7;
	v10 =	vld [tilespmem:s26+$0x0];
	[tilespmem:s26+$0xFFFFFF70] =	vst v1;
	v4 =	vadd.f32 v12, v4;
	v12 =	vmul.f32 $8.999999760e-01, v15  }
0x89: {  	v14 =	vld [tilespmem:s26+$0x80];
	[tilespmem:s26+$0xFFFFFFF0] =	vst v5;
	v2 =	vadd.f32 v6, v2;
	v5 =	vmul.f32 $8.999999760e-01, v19;
	v6 =	vmul.f32 $1.000000010e-01, v15  }
0x8a: {  	v1 =	vmul.f32 $8.999999760e-01, v3;
	v3 =	vmul.f32 $8.999999760e-01, v0;
	v15 =	vld [tilespmem:s26+$0x100];
	[tilespmem:s26+$0x70] =	vst v4;
	v4 =	vadd.f32 v12, v7  }
0x8b: {  	v12 =	vmul.f32 $1.000000010e-01, v0;
	v7 =	vmul.f32 $8.999999760e-01, v20;
	v0 =	vld [tilespmem:s26+$0x180];
	[tilespmem:s26+$0xF0] =	vst v2;
	v5 =	vadd.f32 v5, v6  }
0x8c: {  	v6 =	vmul.f32 $1.000000010e-01, v20;
	v8 =	vadd.f32 v3, v8;
	v3 =	vmul.f32 $8.999999760e-01, v13;
	v20 =	vld [tilespmem:s25+$0xFFFFFFD0];
	[tilespmem:s26+$0x170] =	vst v4  }
0x8d: {  	v2 =	vadd.f32 v7, v12;
	v4 =	vmul.f32 $8.999999760e-01, v10;
	v7 =	vmul.f32 $1.000000010e-01, v13;
	v12 =	vld [tilespmem:s26+$0xFFFFFE10];
	[tilespmem:s26+$0x1F0] =	vst v5  }
0x8e: {  	v3 =	vadd.f32 v3, v6;
	v5 =	vmul.f32 $8.999999760e-01, v14;
	v6 =	vmul.f32 $1.000000010e-01, v10;
	v10 =	vld [tilespmem:s26+$0xFFFFFE90];
	[tilespmem:s25+$0x30] =	vst v19  }
0x8f: {  	v13 =	vmul.f32 $1.000000010e-01, v14;
	v4 =	vadd.f32 v4, v7;
	v7 =	vmul.f32 $8.999999760e-01, v15;
	v14 =	vld [tilespmem:s26+$0xFFFFFF10];
	[tilespmem:s23+$0xFFFFFF60] =	vst v16  }
0x90: {  	v15 =	vmul.f32 $1.000000010e-01, v15;
	v5 =	vadd.f32 v5, v6;
	v16 =	vmul.f32 $8.999999760e-01, v0;
	v19 =	vld [tilespmem:s26+$0xFFFFFF90];
	[tilespmem:s23+$0xFFFFFFE0] =	vst v17  }
0x91: {  	v6 =	vadd.f32 v7, v13;
	v13 =	vmul.f32 $1.000000010e-01, v20;
	v17 =	vld [tilespmem:s26+$0x10];
	[tilespmem:s23+$0x60] =	vst v18  }
0x92: {  	v7 =	vadd.f32 v16, v15;
	v15 =	vmul.f32 $8.999999760e-01, v12;
	v12 =	vmul.f32 $1.000000010e-01, v12;
	v16 =	vld [tilespmem:s26+$0x90];
	[tilespmem:s23+$0xE0] =	vst v11  }
0x93: {  	v11 =	vmul.f32 $8.999999760e-01, v10;
	v10 =	vmul.f32 $1.000000010e-01, v10;
	v18 =	vld [tilespmem:s26+$0x110];
	[tilespmem:s23+$0x160] =	vst v22  }
0x94: {  	v13 =	vadd.f32 v15, v13;
	v15 =	vmul.f32 $8.999999760e-01, v14;
	v14 =	vmul.f32 $1.000000010e-01, v14;
	v20 =	vld [tilespmem:s26+$0x190];
	[tilespmem:s23+$0x1E0] =	vst v23;
	s23 =	smov.u32 s26  }
0x95: {  	v11 =	vadd.f32 v11, v12;
	v12 =	vmul.f32 $8.999999760e-01, v19;
	v19 =	vmul.f32 $1.000000010e-01, v19;
	v21 =	vld [tilespmem:s25+$0xFFFFFFE0];
	[tilespmem:s22+$0x20] =	vst v9;
	s22 =	smov.u32 s25  }
0x96: {  	[tilespmem:s26+$0xFFFFFE10] =	vst v13;
	v9 =	vadd.f32 v15, v10;
	v10 =	vmul.f32 $8.999999760e-01, v17;
	v13 =	vmul.f32 $1.000000010e-01, v17;
	v15 =	vld [tilespmem:s26+$0xFFFFFE20]  }
0x97: {  	[tilespmem:s26+$0xFFFFFE90] =	vst v11;
	v11 =	vadd.f32 v12, v14;
	v12 =	vmul.f32 $8.999999760e-01, v16;
	v14 =	vmul.f32 $1.000000010e-01, v16;
	v16 =	vld [tilespmem:s26+$0xFFFFFEA0]  }
0x98: {  	[tilespmem:s26+$0xFFFFFF10] =	vst v9;
	v9 =	vadd.f32 v10, v19;
	v10 =	vmul.f32 $8.999999760e-01, v18;
	v17 =	vmul.f32 $1.000000010e-01, v18;
	v18 =	vld [tilespmem:s26+$0xFFFFFF20]  }
0x99: {  	[tilespmem:s26+$0xFFFFFF90] =	vst v11;
	v11 =	vadd.f32 v12, v13;
	v12 =	vmul.f32 $8.999999760e-01, v20;
	v13 =	vld [tilespmem:s26+$0xFFFFFFA0]  }
0x9a: {  	[tilespmem:s26+$0x10] =	vst v9;
	v9 =	vadd.f32 v10, v14;
	v10 =	vmul.f32 $1.000000010e-01, v21;
	v14 =	vld [tilespmem:s26+$0x20]  }
0x9b: {  	[tilespmem:s26+$0x90] =	vst v11;
	v11 =	vadd.f32 v12, v17;
	v12 =	vmul.f32 $8.999999760e-01, v15;
	v15 =	vmul.f32 $1.000000010e-01, v15;
	v17 =	vld [tilespmem:s26+$0xA0]  }
0x9c: {  	[tilespmem:s26+$0x110] =	vst v9;
	v9 =	vmul.f32 $8.999999760e-01, v16;
	v16 =	vmul.f32 $1.000000010e-01, v16;
	v19 =	vld [tilespmem:s26+$0x120]  }
0x9d: {  	[tilespmem:s26+$0x190] =	vst v11;
	v10 =	vadd.f32 v12, v10;
	v11 =	vmul.f32 $8.999999760e-01, v18;
	v12 =	vmul.f32 $1.000000010e-01, v18;
	v18 =	vld [tilespmem:s26+$0x1A0]  }
0x9e: {  	[tilespmem:s25+$0xFFFFFFD0] =	vst v20;
	v9 =	vadd.f32 v9, v15;
	v15 =	vmul.f32 $8.999999760e-01, v13;
	v13 =	vmul.f32 $1.000000010e-01, v13;
	v20 =	vld [tilespmem:s25+$0xFFFFFFF0]  }
0x9f: {  	[tilespmem:s26+$0xFFFFFE20] =	vst v10;
	v10 =	vadd.f32 v11, v16;
	v11 =	vmul.f32 $8.999999760e-01, v14;
	v14 =	vmul.f32 $1.000000010e-01, v14;
	v16 =	vld [tilespmem:s26+$0xFFFFFE30]  }
0xa0: {  	[tilespmem:s26+$0xFFFFFEA0] =	vst v9;
	v9 =	vadd.f32 v15, v12;
	v12 =	vmul.f32 $8.999999760e-01, v17;
	v15 =	vmul.f32 $1.000000010e-01, v17;
	v17 =	vld [tilespmem:s26+$0xFFFFFEB0]  }
0xa1: {  	[tilespmem:s26+$0xFFFFFF20] =	vst v10;
	v10 =	vadd.f32 v11, v13;
	v11 =	vmul.f32 $8.999999760e-01, v19;
	v13 =	vmul.f32 $1.000000010e-01, v19;
	v19 =	vld [tilespmem:s26+$0xFFFFFF30]  }
0xa2: {  	[tilespmem:s26+$0xFFFFFFA0] =	vst v9;
	v9 =	vadd.f32 v12, v14;
	v12 =	vmul.f32 $8.999999760e-01, v18;
	v14 =	vld [tilespmem:s26+$0xFFFFFFB0]  }
0xa3: {  	[tilespmem:s26+$0x20] =	vst v10;
	v10 =	vadd.f32 v11, v15;
	v11 =	vmul.f32 $1.000000010e-01, v20;
	v15 =	vld [tilespmem:s26+$0x30]  }
0xa4: {  	[tilespmem:s26+$0xA0] =	vst v9;
	v9 =	vadd.f32 v12, v13;
	v12 =	vmul.f32 $8.999999760e-01, v16;
	v13 =	vmul.f32 $1.000000010e-01, v16;
	v16 =	vld [tilespmem:s26+$0xB0]  }
0xa5: {  	[tilespmem:s26+$0x120] =	vst v10;
	v10 =	vmul.f32 $8.999999760e-01, v17;
	v17 =	vmul.f32 $1.000000010e-01, v17;
	v20 =	vld [tilespmem:s26+$0x130]  }
0xa6: {  	[tilespmem:s26+$0x1A0] =	vst v9;
	v9 =	vadd.f32 v12, v11;
	v11 =	vmul.f32 $8.999999760e-01, v19;
	v12 =	vmul.f32 $1.000000010e-01, v19;
	v19 =	vld [tilespmem:s26+$0x1B0]  }
0xa7: {  	[tilespmem:s25+$0xFFFFFFE0] =	vst v18;
	v10 =	vadd.f32 v10, v13;
	v13 =	vmul.f32 $8.999999760e-01, v14;
	v14 =	vmul.f32 $1.000000010e-01, v14;
	v18 =	vld [tilespmem:s25+$0x0]  }
0xa8: {  	[tilespmem:s26+$0xFFFFFE30] =	vst v9;
	v9 =	vadd.f32 v11, v17;
	v11 =	vmul.f32 $8.999999760e-01, v15;
	v15 =	vmul.f32 $1.000000010e-01, v15;
	v17 =	vld [tilespmem:s26+$0xFFFFFE40]  }
0xa9: {  	[tilespmem:s26+$0xFFFFFEB0] =	vst v10;
	v10 =	vadd.f32 v13, v12;
	v12 =	vmul.f32 $8.999999760e-01, v16;
	v13 =	vmul.f32 $1.000000010e-01, v16;
	v16 =	vld [tilespmem:s26+$0xFFFFFEC0]  }
0xaa: {  	[tilespmem:s26+$0xFFFFFF30] =	vst v9;
	v9 =	vadd.f32 v11, v14;
	v11 =	vmul.f32 $8.999999760e-01, v20;
	v14 =	vmul.f32 $1.000000010e-01, v20;
	v20 =	vld [tilespmem:s26+$0xFFFFFF40]  }
0xab: {  	[tilespmem:s26+$0xFFFFFFB0] =	vst v10;
	v10 =	vadd.f32 v12, v15;
	v12 =	vmul.f32 $8.999999760e-01, v19;
	v15 =	vld [tilespmem:s26+$0xFFFFFFC0]  }
0xac: {  	[tilespmem:s26+$0x30] =	vst v9;
	v9 =	vadd.f32 v11, v13;
	v11 =	vmul.f32 $1.000000010e-01, v18;
	v13 =	vld [tilespmem:s26+$0x40]  }
0xad: {  	[tilespmem:s26+$0xB0] =	vst v10;
	v10 =	vadd.f32 v12, v14;
	v12 =	vmul.f32 $8.999999760e-01, v17;
	v14 =	vmul.f32 $1.000000010e-01, v17;
	v17 =	vld [tilespmem:s26+$0xC0]  }
0xae: {  	[tilespmem:s26+$0x130] =	vst v9;
	v9 =	vmul.f32 $8.999999760e-01, v16;
	v16 =	vmul.f32 $1.000000010e-01, v16;
	v18 =	vld [tilespmem:s26+$0x140]  }
0xaf: {  	[tilespmem:s26+$0x1B0] =	vst v10;
	v10 =	vadd.f32 v12, v11;
	v11 =	vmul.f32 $8.999999760e-01, v20;
	v12 =	vmul.f32 $1.000000010e-01, v20;
	v20 =	vld [tilespmem:s26+$0x1C0]  }
0xb0: {  	[tilespmem:s25+$0xFFFFFFF0] =	vst v19;
	v9 =	vadd.f32 v9, v14;
	v14 =	vmul.f32 $8.999999760e-01, v15;
	v15 =	vmul.f32 $1.000000010e-01, v15;
	v19 =	vld [tilespmem:s25+$0x10]  }
0xb1: {  	[tilespmem:s26+$0xFFFFFE40] =	vst v10;
	v10 =	vadd.f32 v11, v16;
	v11 =	vmul.f32 $8.999999760e-01, v13;
	v13 =	vmul.f32 $1.000000010e-01, v13;
	v16 =	vld [tilespmem:s26+$0xFFFFFE50]  }
0xb2: {  	[tilespmem:s26+$0xFFFFFEC0] =	vst v9;
	v9 =	vadd.f32 v14, v12;
	v12 =	vmul.f32 $8.999999760e-01, v17;
	v14 =	vmul.f32 $1.000000010e-01, v17;
	v17 =	vld [tilespmem:s26+$0xFFFFFED0]  }
0xb3: {  	[tilespmem:s26+$0xFFFFFF40] =	vst v10;
	v10 =	vadd.f32 v11, v15;
	v11 =	vmul.f32 $8.999999760e-01, v18;
	v15 =	vmul.f32 $1.000000010e-01, v18;
	v18 =	vld [tilespmem:s26+$0xFFFFFF50]  }
0xb4: {  	[tilespmem:s26+$0xFFFFFFC0] =	vst v9;
	v9 =	vadd.f32 v12, v13;
	v12 =	vmul.f32 $8.999999760e-01, v20;
	v13 =	vld [tilespmem:s26+$0xFFFFFFD0]  }
0xb5: {  	[tilespmem:s26+$0x40] =	vst v10;
	v10 =	vadd.f32 v11, v14;
	v11 =	vmul.f32 $1.000000010e-01, v19;
	v14 =	vld [tilespmem:s26+$0x50]  }
0xb6: {  	[tilespmem:s26+$0xC0] =	vst v9;
	v9 =	vadd.f32 v12, v15;
	v12 =	vmul.f32 $8.999999760e-01, v16;
	v15 =	vmul.f32 $1.000000010e-01, v16;
	v16 =	vld [tilespmem:s26+$0xD0]  }
0xb7: {  	[tilespmem:s26+$0x140] =	vst v10;
	v19 =	vmul.f32 $8.999999760e-01, v17;
	v17 =	vmul.f32 $1.000000010e-01, v17;
	v21 =	vld [tilespmem:s26+$0x150]  }
0xb8: {  	[tilespmem:s26+$0x1C0] =	vst v9;
	v9 =	vadd.f32 v12, v11;
	v11 =	vmul.f32 $8.999999760e-01, v18;
	v12 =	vmul.f32 $1.000000010e-01, v18;
	v10 =	vld [tilespmem:s26+$0x1D0]  }
0xb9: {  	[tilespmem:s25+$0x0] =	vst v20;
	v15 =	vadd.f32 v19, v15;
	v18 =	vmul.f32 $8.999999760e-01, v13;
	v13 =	vmul.f32 $1.000000010e-01, v13;
	v19 =	vld [tilespmem:s25+$0x20]  }
0xba: {  	[tilespmem:s26+$0xFFFFFE50] =	vst v9;
	v9 =	vadd.f32 v11, v17;
	v11 =	vmul.f32 $8.999999760e-01, v14;
	v14 =	vmul.f32 $1.000000010e-01, v14;
	v17 =	vld [tilespmem:s26+$0xFFFFFE60]  }
0xbb: {  	[tilespmem:s26+$0xFFFFFED0] =	vst v15;
	v12 =	vadd.f32 v18, v12;
	v15 =	vmul.f32 $8.999999760e-01, v16;
	v16 =	vmul.f32 $1.000000010e-01, v16;
	v18 =	vld [tilespmem:s26+$0xFFFFFEE0]  }
0xbc: {  	[tilespmem:s26+$0xFFFFFF50] =	vst v9;
	v9 =	vadd.f32 v11, v13;
	v11 =	vmul.f32 $8.999999760e-01, v21;
	v13 =	vmul.f32 $1.000000010e-01, v21;
	v20 =	vld [tilespmem:s26+$0xFFFFFF60]  }
0xbd: {  	[tilespmem:s26+$0xFFFFFFD0] =	vst v12;
	v12 =	vadd.f32 v15, v14;
	v14 =	vmul.f32 $8.999999760e-01, v10;
	v21 =	vld [tilespmem:s26+$0xFFFFFFE0]  }
.Ltmp1:
0xbe: {  	[tilespmem:s26+$0x50] =	vst v9;
	v9 =	vadd.f32 v11, v16;
	v15 =	vmul.f32 $1.000000010e-01, v19;
	v11 =	vld [tilespmem:s26+$0x60];
	(pc) =	sbr.rel @p0 .LBB2_5-.Ltmp1, $4  }
0xbf: {  	[tilespmem:s26+$0xD0] =	vst v12;
	v14 =	vadd.f32 v14, v13;
	v19 =	vmul.f32 $8.999999760e-01, v17;
	v22 =	vmul.f32 $1.000000010e-01, v17;
	v12 =	vld [tilespmem:s26+$0xE0]  }
0xc0: {  	[tilespmem:s26+$0x150] =	vst v9;
	v23 =	vmul.f32 $8.999999760e-01, v18;
	v16 =	vmul.f32 $1.000000010e-01, v18;
	v13 =	vld [tilespmem:s26+$0x160]  }
0xc1: {  	[tilespmem:s26+$0x1D0] =	vst v14;
	v14 =	vadd.f32 v19, v15;
	v19 =	vmul.f32 $8.999999760e-01, v20;
	v17 =	vmul.f32 $1.000000010e-01, v20;
	v9 =	vld [tilespmem:s26+$0x1E0]  }
0xc2: {  	s25 =	sadd.s32 $0x80, s25;
	v15 =	vld [tilespmem:s22+$0xFFFFFFC0];
	[tilespmem:s26+$0xFFFFFE80] =	vst v8;
	v8 =	vadd.f32 v23, v22;
	v20 =	vmul.f32 $8.999999760e-01, v21;
	v18 =	vmul.f32 $1.000000010e-01, v21  }
0xc3: {  	[tilespmem:s23+$0xFFFFFF00] =	vst v2  }
0xc4: {  	[tilespmem:s23+$0xFFFFFF80] =	vst v3  }
0xc5: {  	[tilespmem:s23+$0x0] =	vst v4  }
0xc6: {  	[tilespmem:s23+$0x80] =	vst v5  }
0xc7: {  	[tilespmem:s23+$0x100] =	vst v6  }
0xc8: {  	[tilespmem:s23+$0x180] =	vst v7;
	v2 =	vmul.f32 $1.000000010e-01, v15  }
0xc9: {  	[tilespmem:s22+$0x10] =	vst v10  }
0xca: {  	[tilespmem:s23+$0xFFFFFE60] =	vst v14;
	v1 =	vadd.f32 v1, v2  }
0xcb: {  	[tilespmem:s23+$0xFFFFFEE0] =	vst v8;
	v2 =	vmul.f32 $8.999999760e-01, v11  }
0xcc: {  	[tilespmem:s23+$0xFFFFFE00] =	vst v1;
	v1 =	vadd.f32 v19, v16  }
0xcd: {  	v4 =	vmul.f32 $1.000000010e-01, v11;
	v3 =	vmul.f32 $8.999999760e-01, v12;
	v2 =	vadd.f32 v2, v18;
	[tilespmem:s22+$0xFFFFFFC0] =	vst v0  }
0xce: {  	v6 =	vmul.f32 $1.000000010e-01, v12;
	v5 =	vmul.f32 $8.999999760e-01, v13;
	v0 =	vadd.f32 v20, v17;
	[tilespmem:s23+$0xFFFFFF60] =	vst v1  }
0xcf: {  	v1 =	vadd.f32 v3, v4;
	v3 =	vmul.f32 $8.999999760e-01, v9;
	v4 =	vmul.f32 $1.000000010e-01, v13;
	[tilespmem:s23+$0x60] =	vst v2  }
0xd0: {  	[tilespmem:s23+$0xFFFFFFE0] =	vst v0;
	v0 =	vadd.f32 v5, v6  }
0xd1: {  	v2 =	vadd.f32 v3, v4;
	[tilespmem:s23+$0xE0] =	vst v1  }
0xd2: {  	[tilespmem:s23+$0x160] =	vst v0  }
0xd3: {  	p0 =	seq.s32 s19, $0xF;
	[tilespmem:s23+$0x1E0] =	vst v2  }
0xd4: {  	s31 =	sadd.s32 s21, s8;
	[tilespmem:s22+$0x20] =	vst v9;
	s22 =	simm.s32 @!p0 $0x3  }
0xd5: {  	[hbm4b:s31+s4] =	stream.linear.scatter [tilespmem:s4], [sflag:$0x3], $0x8000, $0x38;
	[tilespmem:$0x19000] =	vst v63  }
0xd6: {  	_ =	swait.ge @!p0 [sflag:s22], $0x8000  }
0xd7: {  	[sflag:s22] =	ssyncset.done @!p0 $0x0  }
0xd8: {  	s21 =	sadd.s32 @!p0 s21, s9;
	[sflag:s22] =	ssyncadd.s32 @!p0 $0xFFFF8000;
	s22 =	simm.s32 @!p0 $0x0  }
0xd9: {  	[tilespmem:s22], [sflag:$0x1] =	stream.linear.gather @!p0 [hbm4b:s21+s22], $0x8000, $0x38;
	[tilespmem:$0x19000] =	vst v63  }
0xda: {  	_ =	swait.ge [sflag:s15], $0x8000  }
0xdb: {  	[sflag:s15] =	ssyncset.done $0x0  }
0xdc: {  	s21 =	simm.s32 $0x18040;
	[sflag:s15] =	ssyncadd.s32 $0xFFFF8000  }
0xdd: {  	s22 =	simm.s32 $0x8200;
	v0 =	vld [tilespmem:s21+$0x30]  }
0xde: {  	v1 =	vld [tilespmem:s22+$0xFFFFFE70]  }
0xdf: {  	v2 =	vld [tilespmem:s22+$0xFFFFFEF0]  }
0xe0: {  	v3 =	vld [tilespmem:s22+$0xFFFFFF70]  }
0xe1: {  	v8 =	vld [tilespmem:s22+$0xFFFFFFF0]  }
0xe2: {  	v9 =	vld [tilespmem:s22+$0x70]  }
0xe3: {  	v10 =	vld [tilespmem:s22+$0xFFFFFE00]  }
0xe4: {  	v11 =	vld [tilespmem:s22+$0xF0]  }
0xe5: {  	v12 =	vld [tilespmem:s22+$0x170]  }
0xe6: {  	v13 =	vld [tilespmem:s22+$0x1F0]  }
0xe7: {  	v14 =	vld [tilespmem:s22+$0xFFFFFE80];
	v16 =	vmul.f32 $8.999999760e-01, v1  }
0xe8: {  	v15 =	vld [tilespmem:s22+$0xFFFFFF00];
	v0 =	vmul.f32 $1.000000010e-01, v0;
	v17 =	vmul.f32 $8.999999760e-01, v2  }
0xe9: {  	v4 =	vld [tilespmem:s22+$0xFFFFFF80];
	v1 =	vmul.f32 $1.000000010e-01, v1;
	v18 =	vmul.f32 $8.999999760e-01, v3  }
0xea: {  	v5 =	vld [tilespmem:s22+$0x0];
	v2 =	vmul.f32 $1.000000010e-01, v2;
	v19 =	vmul.f32 $8.999999760e-01, v8  }
0xeb: {  	v7 =	vld [tilespmem:s22+$0x80];
	v3 =	vmul.f32 $1.000000010e-01, v3;
	v20 =	vmul.f32 $1.000000010e-01, v10  }
0xec: {  	v6 =	vld [tilespmem:s22+$0x100];
	v8 =	vmul.f32 $1.000000010e-01, v8;
	v16 =	vadd.f32 v16, v0;
	v1 =	vadd.f32 v17, v1  }
0xed: {  	v21 =	vld [tilespmem:s21+$0xFFFFFFD0];
	v17 =	vmul.f32 $8.999999760e-01, v9;
	v2 =	vadd.f32 v18, v2;
	v18 =	vmul.f32 $8.999999760e-01, v11  }
0xee: {  	v22 =	vld [tilespmem:s22+$0xFFFFFE10];
	v3 =	vadd.f32 v19, v3;
	v9 =	vmul.f32 $1.000000010e-01, v9;
	v11 =	vmul.f32 $1.000000010e-01, v11;
	[tilespmem:s22+$0xFFFFFE70] =	vst v16  }
0xef: {  	v23 =	vld [tilespmem:s22+$0xFFFFFF10];
	v16 =	vmul.f32 $8.999999760e-01, v12;
	[tilespmem:s22+$0xFFFFFEF0] =	vst v1;
	v8 =	vadd.f32 v17, v8;
	v17 =	vmul.f32 $8.999999760e-01, v13  }
0xf0: {  	v19 =	vld [tilespmem:s22+$0xFFFFFE90];
	[tilespmem:s22+$0xFFFFFF70] =	vst v2;
	v2 =	vadd.f32 v18, v9;
	v9 =	vmul.f32 $1.000000010e-01, v12;
	v1 =	vmul.f32 $8.999999760e-01, v10  }
0xf1: {  	v0 =	vld [tilespmem:s22+$0x180];
	[tilespmem:s22+$0xFFFFFFF0] =	vst v3;
	v3 =	vmul.f32 $8.999999760e-01, v14;
	v12 =	vmul.f32 $8.999999760e-01, v15  }
0xf2: {  	v10 =	vld [tilespmem:s22+$0xFFFFFF90];
	v14 =	vmul.f32 $1.000000010e-01, v14;
	v11 =	vadd.f32 v16, v11;
	v9 =	vadd.f32 v17, v9  }
0xf3: {  	v18 =	vld [tilespmem:s22+$0x90];
	[tilespmem:s22+$0x70] =	vst v8;
	v17 =	vmul.f32 $8.999999760e-01, v4;
	v8 =	vadd.f32 v3, v20;
	v3 =	vmul.f32 $1.000000010e-01, v21  }
0xf4: {  	v16 =	vld [tilespmem:s22+$0x10];
	[tilespmem:s22+$0xF0] =	vst v2;
	v20 =	vmul.f32 $8.999999760e-01, v22;
	v4 =	vmul.f32 $1.000000010e-01, v4  }
0xf5: {  	v21 =	vld [tilespmem:s22+$0x110];
	v2 =	vadd.f32 v12, v14;
	v12 =	vmul.f32 $8.999999760e-01, v19;
	[tilespmem:s22+$0x170] =	vst v11;
	v11 =	vmul.f32 $1.000000010e-01, v22  }
0xf6: {  	v14 =	vld [tilespmem:s22+$0x190];
	[tilespmem:s22+$0x1F0] =	vst v9;
	v9 =	vmul.f32 $1.000000010e-01, v19;
	v19 =	vmul.f32 $8.999999760e-01, v23  }
0xf7: {  	v3 =	vadd.f32 v20, v3;
	v20 =	vld [tilespmem:s21+$0xFFFFFFE0];
	[tilespmem:s21+$0x30] =	vst v13;
	v13 =	vmul.f32 $1.000000010e-01, v23;
	v23 =	vmul.f32 $8.999999760e-01, v5  }
0xf8: {  	v22 =	vld [tilespmem:s22+$0xFFFFFE20];
	v11 =	vadd.f32 v12, v11;
	v12 =	vmul.f32 $8.999999760e-01, v10;
	v10 =	vmul.f32 $1.000000010e-01, v10  }
0xf9: {  	[tilespmem:s22+$0xFFFFFE10] =	vst v3;
	v3 =	vadd.f32 v19, v9;
	v19 =	vld [tilespmem:s22+$0xFFFFFEA0];
	v9 =	vmul.f32 $8.999999760e-01, v16;
	v16 =	vmul.f32 $1.000000010e-01, v16  }
0xfa: {  	v4 =	vadd.f32 v23, v4;
	v23 =	vld [tilespmem:s22+$0x1C0];
	[tilespmem:s22+$0xFFFFFE90] =	vst v11;
	v11 =	vadd.f32 v12, v13;
	v12 =	vmul.f32 $8.999999760e-01, v18  }
0xfb: {  	v13 =	vld [tilespmem:s22+$0xFFFFFF20];
	v18 =	vmul.f32 $1.000000010e-01, v18;
	[tilespmem:s22+$0xFFFFFF10] =	vst v3;
	v3 =	vadd.f32 v9, v10;
	v9 =	vmul.f32 $8.999999760e-01, v21  }
0xfc: {  	v10 =	vld [tilespmem:s22+$0xFFFFFFA0];
	v21 =	vmul.f32 $1.000000010e-01, v21;
	[tilespmem:s22+$0xFFFFFF90] =	vst v11;
	v11 =	vadd.f32 v12, v16;
	v12 =	vmul.f32 $8.999999760e-01, v14  }
0xfd: {  	v15 =	vmul.f32 $1.000000010e-01, v15;
	v16 =	vld [tilespmem:s22+$0x20];
	[tilespmem:s22+$0x10] =	vst v3;
	v9 =	vadd.f32 v9, v18  }
0xfe: {  	v20 =	vmul.f32 $1.000000010e-01, v20;
	v18 =	vld [tilespmem:s22+$0xA0];
	[tilespmem:s22+$0x90] =	vst v11;
	v11 =	vadd.f32 v12, v21;
	v12 =	vmul.f32 $8.999999760e-01, v22  }
0xff: {  	v3 =	vadd.f32 v17, v15;
	v15 =	vmul.f32 $1.000000010e-01, v22;
	v21 =	vld [tilespmem:s22+$0x120];
	[tilespmem:s22+$0x110] =	vst v9;
	v9 =	vmul.f32 $8.999999760e-01, v19  }
0x100: {  	v17 =	vld [tilespmem:s22+$0x1A0];
	v19 =	vmul.f32 $1.000000010e-01, v19;
	[tilespmem:s22+$0x190] =	vst v11;
	v11 =	vadd.f32 v12, v20;
	v12 =	vmul.f32 $8.999999760e-01, v13  }
0x101: {  	v20 =	vld [tilespmem:s21+$0xFFFFFFF0];
	v13 =	vmul.f32 $1.000000010e-01, v13;
	[tilespmem:s21+$0xFFFFFFD0] =	vst v14;
	v9 =	vadd.f32 v9, v15;
	v14 =	vmul.f32 $8.999999760e-01, v10  }
0x102: {  	v15 =	vld [tilespmem:s22+$0xFFFFFE30];
	v10 =	vmul.f32 $1.000000010e-01, v10;
	[tilespmem:s22+$0xFFFFFE20] =	vst v11;
	v11 =	vadd.f32 v12, v19;
	v12 =	vmul.f32 $8.999999760e-01, v16  }
0x103: {  	v19 =	vld [tilespmem:s22+$0xFFFFFEB0];
	v16 =	vmul.f32 $1.000000010e-01, v16;
	[tilespmem:s22+$0xFFFFFEA0] =	vst v9;
	v9 =	vadd.f32 v14, v13;
	v13 =	vmul.f32 $8.999999760e-01, v18  }
0x104: {  	v14 =	vld [tilespmem:s22+$0xFFFFFF30];
	v18 =	vmul.f32 $1.000000010e-01, v18;
	[tilespmem:s22+$0xFFFFFF20] =	vst v11;
	v10 =	vadd.f32 v12, v10;
	v11 =	vmul.f32 $8.999999760e-01, v21  }
0x105: {  	v12 =	vld [tilespmem:s22+$0xFFFFFFB0];
	v21 =	vmul.f32 $1.000000010e-01, v21;
	[tilespmem:s22+$0xFFFFFFA0] =	vst v9;
	v9 =	vadd.f32 v13, v16;
	v13 =	vmul.f32 $8.999999760e-01, v17  }
0x106: {  	v5 =	vmul.f32 $1.000000010e-01, v5;
	v16 =	vld [tilespmem:s22+$0x30];
	[tilespmem:s22+$0x20] =	vst v10;
	v11 =	vadd.f32 v11, v18  }
0x107: {  	v20 =	vmul.f32 $1.000000010e-01, v20;
	v18 =	vld [tilespmem:s22+$0xB0];
	[tilespmem:s22+$0xA0] =	vst v9;
	v9 =	vadd.f32 v13, v21;
	v13 =	vmul.f32 $8.999999760e-01, v15  }
0x108: {  	v21 =	vld [tilespmem:s22+$0x130];
	v15 =	vmul.f32 $1.000000010e-01, v15;
	[tilespmem:s22+$0x120] =	vst v11;
	v11 =	vmul.f32 $8.999999760e-01, v19  }
0x109: {  	v22 =	vld [tilespmem:s22+$0x1B0];
	v19 =	vmul.f32 $1.000000010e-01, v19;
	[tilespmem:s22+$0x1A0] =	vst v9;
	v9 =	vadd.f32 v13, v20;
	v13 =	vmul.f32 $8.999999760e-01, v14  }
0x10a: {  	v20 =	vld [tilespmem:s21+$0x0];
	v14 =	vmul.f32 $1.000000010e-01, v14;
	[tilespmem:s21+$0xFFFFFFE0] =	vst v17;
	v11 =	vadd.f32 v11, v15;
	v15 =	vmul.f32 $8.999999760e-01, v12  }
0x10b: {  	v17 =	vld [tilespmem:s22+$0xFFFFFE40];
	v12 =	vmul.f32 $1.000000010e-01, v12;
	[tilespmem:s22+$0xFFFFFE30] =	vst v9;
	v9 =	vadd.f32 v13, v19;
	v13 =	vmul.f32 $8.999999760e-01, v16  }
0x10c: {  	v19 =	vld [tilespmem:s22+$0xFFFFFEC0];
	v16 =	vmul.f32 $1.000000010e-01, v16;
	[tilespmem:s22+$0xFFFFFEB0] =	vst v11;
	v11 =	vadd.f32 v15, v14;
	v14 =	vmul.f32 $8.999999760e-01, v18  }
0x10d: {  	v15 =	vld [tilespmem:s22+$0xFFFFFF40];
	v18 =	vmul.f32 $1.000000010e-01, v18;
	[tilespmem:s22+$0xFFFFFF30] =	vst v9;
	v9 =	vadd.f32 v13, v12;
	v12 =	vmul.f32 $8.999999760e-01, v21  }
0x10e: {  	v13 =	vld [tilespmem:s22+$0xFFFFFFC0];
	v21 =	vmul.f32 $1.000000010e-01, v21;
	[tilespmem:s22+$0xFFFFFFB0] =	vst v11;
	v11 =	vadd.f32 v14, v16;
	v14 =	vmul.f32 $8.999999760e-01, v22  }
0x10f: {  	v10 =	vmul.f32 $8.999999760e-01, v7;
	v7 =	vmul.f32 $1.000000010e-01, v7;
	v16 =	vld [tilespmem:s22+$0x40];
	[tilespmem:s22+$0x30] =	vst v9;
	v12 =	vadd.f32 v12, v18  }
0x110: {  	v20 =	vmul.f32 $1.000000010e-01, v20;
	v18 =	vld [tilespmem:s22+$0xC0];
	[tilespmem:s22+$0xB0] =	vst v11;
	v11 =	vadd.f32 v14, v21;
	v14 =	vmul.f32 $8.999999760e-01, v17  }
0x111: {  	v5 =	vadd.f32 v10, v5;
	v10 =	vmul.f32 $1.000000010e-01, v17;
	v21 =	vld [tilespmem:s22+$0x140];
	[tilespmem:s22+$0x130] =	vst v12;
	v12 =	vmul.f32 $8.999999760e-01, v19  }
0x112: {  	v17 =	vmul.f32 $1.000000010e-01, v19;
	v19 =	vld [tilespmem:s21+$0x10];
	[tilespmem:s22+$0x1B0] =	vst v11;
	v11 =	vadd.f32 v14, v20;
	v14 =	vmul.f32 $8.999999760e-01, v15  }
0x113: {  	v15 =	vmul.f32 $1.000000010e-01, v15;
	v20 =	vld [tilespmem:s22+$0xFFFFFE50];
	[tilespmem:s21+$0xFFFFFFF0] =	vst v22;
	v10 =	vadd.f32 v12, v10;
	v12 =	vmul.f32 $8.999999760e-01, v13  }
0x114: {  	v13 =	vmul.f32 $1.000000010e-01, v13;
	[tilespmem:s22+$0xFFFFFE40] =	vst v11;
	v11 =	vadd.f32 v14, v17;
	v14 =	vmul.f32 $8.999999760e-01, v16;
	v17 =	vld [tilespmem:s22+$0xFFFFFED0]  }
0x115: {  	v16 =	vmul.f32 $1.000000010e-01, v16;
	[tilespmem:s22+$0xFFFFFEC0] =	vst v10;
	v10 =	vadd.f32 v12, v15;
	v12 =	vmul.f32 $8.999999760e-01, v18;
	v15 =	vld [tilespmem:s22+$0xFFFFFF50]  }
0x116: {  	v18 =	vmul.f32 $1.000000010e-01, v18;
	[tilespmem:s22+$0xFFFFFF40] =	vst v11;
	v11 =	vadd.f32 v14, v13;
	v13 =	vmul.f32 $8.999999760e-01, v21;
	v14 =	vld [tilespmem:s22+$0xFFFFFFD0]  }
0x117: {  	v21 =	vmul.f32 $1.000000010e-01, v21;
	[tilespmem:s22+$0xFFFFFFC0] =	vst v10;
	v10 =	vadd.f32 v12, v16;
	v12 =	vmul.f32 $8.999999760e-01, v23;
	v16 =	vld [tilespmem:s22+$0x50]  }
0x118: {  	[tilespmem:s22+$0x40] =	vst v11;
	v11 =	vadd.f32 v13, v18;
	v13 =	vmul.f32 $1.000000010e-01, v19;
	v18 =	vmul.f32 $8.999999760e-01, v20;
	v19 =	vld [tilespmem:s22+$0xD0]  }
0x119: {  	v22 =	vld [tilespmem:s22+$0x150];
	v20 =	vmul.f32 $1.000000010e-01, v20;
	[tilespmem:s22+$0xC0] =	vst v10;
	v12 =	vadd.f32 v12, v21;
	v21 =	vmul.f32 $8.999999760e-01, v17  }
0x11a: {  	v10 =	vld [tilespmem:s22+$0x1D0];
	[tilespmem:s22+$0x140] =	vst v11;
	v11 =	vmul.f32 $1.000000010e-01, v17;
	v13 =	vadd.f32 v18, v13;
	v17 =	vmul.f32 $8.999999760e-01, v15  }
0x11b: {  	[tilespmem:s22+$0x1C0] =	vst v12;
	v12 =	vmul.f32 $1.000000010e-01, v15;
	v15 =	vadd.f32 v21, v20;
	v18 =	vmul.f32 $8.999999760e-01, v14;
	v20 =	vld [tilespmem:s21+$0x20]  }
0x11c: {  	v14 =	vmul.f32 $1.000000010e-01, v14;
	v21 =	vld [tilespmem:s22+$0xFFFFFF60];
	[tilespmem:s22+$0xFFFFFE50] =	vst v13;
	v11 =	vadd.f32 v17, v11;
	v13 =	vmul.f32 $8.999999760e-01, v16  }
0x11d: {  	v17 =	vld [tilespmem:s22+$0xFFFFFE60];
	v16 =	vmul.f32 $1.000000010e-01, v16;
	[tilespmem:s22+$0xFFFFFED0] =	vst v15;
	v12 =	vadd.f32 v18, v12;
	v15 =	vmul.f32 $8.999999760e-01, v19  }
0x11e: {  	v18 =	vld [tilespmem:s22+$0xFFFFFEE0];
	v19 =	vmul.f32 $1.000000010e-01, v19;
	[tilespmem:s22+$0xFFFFFF50] =	vst v11;
	v11 =	vadd.f32 v13, v14;
	v13 =	vmul.f32 $8.999999760e-01, v22  }
0x11f: {  	v9 =	vmul.f32 $8.999999760e-01, v6;
	v14 =	vmul.f32 $1.000000010e-01, v22;
	[tilespmem:s22+$0xFFFFFFD0] =	vst v12;
	v12 =	vadd.f32 v15, v16  }
0x120: {  	[tilespmem:s21+$0x0] =	vst v23;
	v22 =	vld [tilespmem:s22+$0xFFFFFFE0];
	v15 =	vmul.f32 $8.999999760e-01, v10;
	v16 =	vmul.f32 $8.999999760e-01, v0;
	v13 =	vadd.f32 v13, v19  }
0x121: {  	s24 =	simm.s32 $0x180C0;
	s25 =	simm.s32 $0x8200;
	[tilespmem:s22+$0x50] =	vst v11;
	v11 =	vld [tilespmem:s22+$0x60];
	v19 =	vmul.f32 $1.000000010e-01, v6;
	v20 =	vmul.f32 $1.000000010e-01, v20;
	v6 =	vadd.f32 v9, v7  }
0x122: {  	[tilespmem:s22+$0xD0] =	vst v12;
	v14 =	vadd.f32 v15, v14;
	v12 =	vld [tilespmem:s22+$0xE0];
	v9 =	vmul.f32 $8.999999760e-01, v17;
	v24 =	vmul.f32 $1.000000010e-01, v17  }
0x123: {  	v17 =	vmul.f32 $1.000000010e-01, v21;
	[tilespmem:s22+$0x150] =	vst v13;
	v13 =	vld [tilespmem:s22+$0x160];
	v7 =	vadd.f32 v16, v19;
	v25 =	vmul.f32 $8.999999760e-01, v18  }
0x124: {  	v16 =	vmul.f32 $1.000000010e-01, v18;
	v19 =	vmul.f32 $8.999999760e-01, v21;
	[tilespmem:s22+$0x1D0] =	vst v14;
	v14 =	vadd.f32 v9, v20;
	v9 =	vld [tilespmem:s22+$0x1E0]  }
0x125: {  	s23 =	simm.s32 $0x0;
	v15 =	vld [tilespmem:s21+$0xFFFFFFC0];
	[tilespmem:s22+$0xFFFFFE80] =	vst v8;
	v20 =	vmul.f32 $8.999999760e-01, v22;
	v18 =	vmul.f32 $1.000000010e-01, v22;
	v8 =	vadd.f32 v25, v24  }
.LBB2_7:
0x126: {  	v21 =	vld [tilespmem:s24+$0x30];
	[tilespmem:s22+$0xFFFFFF00] =	vst v2;
	v16 =	vadd.f32 v19, v16;
	v2 =	vmul.f32 $8.999999760e-01, v11;
	s25 =	sadd.s32 $0x400, s25  }
0x127: {  	v11 =	vmul.f32 $1.000000010e-01, v11;
	v19 =	vld [tilespmem:s25+$0xFFFFFE70];
	[tilespmem:s22+$0xFFFFFF80] =	vst v3;
	v17 =	vadd.f32 v20, v17;
	v3 =	vmul.f32 $8.999999760e-01, v12  }
0x128: {  	v20 =	vld [tilespmem:s25+$0xFFFFFEF0];
	[tilespmem:s22+$0x0] =	vst v4;
	v18 =	vadd.f32 v2, v18;
	v2 =	vmul.f32 $8.999999760e-01, v13;
	v4 =	vmul.f32 $1.000000010e-01, v12  }
0x129: {  	v12 =	vld [tilespmem:s25+$0xFFFFFF70];
	[tilespmem:s22+$0x80] =	vst v5;
	v11 =	vadd.f32 v3, v11;
	v3 =	vmul.f32 $8.999999760e-01, v9;
	v5 =	vmul.f32 $1.000000010e-01, v13  }
0x12a: {  	v13 =	vld [tilespmem:s25+$0xFFFFFFF0];
	v15 =	vmul.f32 $1.000000010e-01, v15;
	[tilespmem:s22+$0x100] =	vst v6;
	v22 =	vadd.f32 v2, v4  }
0x12b: {  	v2 =	vld [tilespmem:s25+$0x70];
	[tilespmem:s22+$0x180] =	vst v7;
	v23 =	vadd.f32 v3, v5  }
0x12c: {  	v3 =	vld [tilespmem:s25+$0xFFFFFE00];
	v4 =	vmul.f32 $8.999999760e-01, v19;
	v1 =	vadd.f32 v1, v15;
	[tilespmem:s21+$0x10] =	vst v10  }
0x12d: {  	v5 =	vmul.f32 $1.000000010e-01, v21;
	v6 =	vmul.f32 $8.999999760e-01, v20;
	v7 =	vld [tilespmem:s25+$0xF0];
	[tilespmem:s22+$0xFFFFFE60] =	vst v14  }
0x12e: {  	v10 =	vmul.f32 $1.000000010e-01, v19;
	v14 =	vmul.f32 $8.999999760e-01, v12;
	v15 =	vld [tilespmem:s25+$0x170];
	[tilespmem:s22+$0xFFFFFE00] =	vst v1  }
0x12f: {  	v1 =	vadd.f32 v4, v5;
	v4 =	vmul.f32 $1.000000010e-01, v20;
	v5 =	vmul.f32 $8.999999760e-01, v13;
	v19 =	vld [tilespmem:s25+$0x1F0];
	[tilespmem:s21+$0xFFFFFFC0] =	vst v0  }
0x130: {  	s23 =	sadd.s32 $0x8, s23;
	v6 =	vadd.f32 v6, v10;
	v10 =	vmul.f32 $1.000000010e-01, v12;
	v0 =	vld [tilespmem:s25+$0xFFFFFE80];
	v12 =	vmul.f32 $8.999999760e-01, v2;
	[tilespmem:s22+$0xFFFFFEE0] =	vst v8  }
0x131: {  	p0 =	slt.u32 s23, $0xF8;
	v8 =	vmul.f32 $1.000000010e-01, v3;
	v20 =	vld [tilespmem:s25+$0xFFFFFF00];
	[tilespmem:s25+$0xFFFFFE70] =	vst v1;
	v1 =	vadd.f32 v14, v4;
	v4 =	vmul.f32 $1.000000010e-01, v13  }
0x132: {  	v2 =	vmul.f32 $1.000000010e-01, v2;
	v5 =	vadd.f32 v5, v10;
	v13 =	vld [tilespmem:s25+$0xFFFFFF80];
	[tilespmem:s25+$0xFFFFFEF0] =	vst v6;
	v6 =	vmul.f32 $8.999999760e-01, v7  }
0x133: {  	v7 =	vmul.f32 $1.000000010e-01, v7;
	v10 =	vld [tilespmem:s25+$0x0];
	[tilespmem:s25+$0xFFFFFF70] =	vst v1;
	v4 =	vadd.f32 v12, v4;
	v12 =	vmul.f32 $8.999999760e-01, v15  }
0x134: {  	v14 =	vld [tilespmem:s25+$0x80];
	[tilespmem:s25+$0xFFFFFFF0] =	vst v5;
	v2 =	vadd.f32 v6, v2;
	v5 =	vmul.f32 $8.999999760e-01, v19;
	v6 =	vmul.f32 $1.000000010e-01, v15  }
0x135: {  	v1 =	vmul.f32 $8.999999760e-01, v3;
	v3 =	vmul.f32 $8.999999760e-01, v0;
	v15 =	vld [tilespmem:s25+$0x100];
	[tilespmem:s25+$0x70] =	vst v4;
	v4 =	vadd.f32 v12, v7  }
0x136: {  	v12 =	vmul.f32 $1.000000010e-01, v0;
	v7 =	vmul.f32 $8.999999760e-01, v20;
	v0 =	vld [tilespmem:s25+$0x180];
	[tilespmem:s25+$0xF0] =	vst v2;
	v5 =	vadd.f32 v5, v6  }
0x137: {  	v6 =	vmul.f32 $1.000000010e-01, v20;
	v8 =	vadd.f32 v3, v8;
	v3 =	vmul.f32 $8.999999760e-01, v13;
	v20 =	vld [tilespmem:s24+$0xFFFFFFD0];
	[tilespmem:s25+$0x170] =	vst v4  }
0x138: {  	v2 =	vadd.f32 v7, v12;
	v4 =	vmul.f32 $8.999999760e-01, v10;
	v7 =	vmul.f32 $1.000000010e-01, v13;
	v12 =	vld [tilespmem:s25+$0xFFFFFE10];
	[tilespmem:s25+$0x1F0] =	vst v5  }
0x139: {  	v3 =	vadd.f32 v3, v6;
	v5 =	vmul.f32 $8.999999760e-01, v14;
	v6 =	vmul.f32 $1.000000010e-01, v10;
	v10 =	vld [tilespmem:s25+$0xFFFFFE90];
	[tilespmem:s24+$0x30] =	vst v19  }
0x13a: {  	v13 =	vmul.f32 $1.000000010e-01, v14;
	v4 =	vadd.f32 v4, v7;
	v7 =	vmul.f32 $8.999999760e-01, v15;
	v14 =	vld [tilespmem:s25+$0xFFFFFF10];
	[tilespmem:s22+$0xFFFFFF60] =	vst v16  }
0x13b: {  	v15 =	vmul.f32 $1.000000010e-01, v15;
	v5 =	vadd.f32 v5, v6;
	v16 =	vmul.f32 $8.999999760e-01, v0;
	v19 =	vld [tilespmem:s25+$0xFFFFFF90];
	[tilespmem:s22+$0xFFFFFFE0] =	vst v17  }
0x13c: {  	v6 =	vadd.f32 v7, v13;
	v13 =	vmul.f32 $1.000000010e-01, v20;
	v17 =	vld [tilespmem:s25+$0x10];
	[tilespmem:s22+$0x60] =	vst v18  }
0x13d: {  	v7 =	vadd.f32 v16, v15;
	v15 =	vmul.f32 $8.999999760e-01, v12;
	v12 =	vmul.f32 $1.000000010e-01, v12;
	v16 =	vld [tilespmem:s25+$0x90];
	[tilespmem:s22+$0xE0] =	vst v11  }
0x13e: {  	v11 =	vmul.f32 $8.999999760e-01, v10;
	v10 =	vmul.f32 $1.000000010e-01, v10;
	v18 =	vld [tilespmem:s25+$0x110];
	[tilespmem:s22+$0x160] =	vst v22  }
0x13f: {  	v13 =	vadd.f32 v15, v13;
	v15 =	vmul.f32 $8.999999760e-01, v14;
	v14 =	vmul.f32 $1.000000010e-01, v14;
	v20 =	vld [tilespmem:s25+$0x190];
	[tilespmem:s22+$0x1E0] =	vst v23;
	s22 =	smov.u32 s25  }
0x140: {  	v11 =	vadd.f32 v11, v12;
	v12 =	vmul.f32 $8.999999760e-01, v19;
	v19 =	vmul.f32 $1.000000010e-01, v19;
	v21 =	vld [tilespmem:s24+$0xFFFFFFE0];
	[tilespmem:s21+$0x20] =	vst v9;
	s21 =	smov.u32 s24  }
0x141: {  	[tilespmem:s25+$0xFFFFFE10] =	vst v13;
	v9 =	vadd.f32 v15, v10;
	v10 =	vmul.f32 $8.999999760e-01, v17;
	v13 =	vmul.f32 $1.000000010e-01, v17;
	v15 =	vld [tilespmem:s25+$0xFFFFFE20]  }
0x142: {  	[tilespmem:s25+$0xFFFFFE90] =	vst v11;
	v11 =	vadd.f32 v12, v14;
	v12 =	vmul.f32 $8.999999760e-01, v16;
	v14 =	vmul.f32 $1.000000010e-01, v16;
	v16 =	vld [tilespmem:s25+$0xFFFFFEA0]  }
0x143: {  	[tilespmem:s25+$0xFFFFFF10] =	vst v9;
	v9 =	vadd.f32 v10, v19;
	v10 =	vmul.f32 $8.999999760e-01, v18;
	v17 =	vmul.f32 $1.000000010e-01, v18;
	v18 =	vld [tilespmem:s25+$0xFFFFFF20]  }
0x144: {  	[tilespmem:s25+$0xFFFFFF90] =	vst v11;
	v11 =	vadd.f32 v12, v13;
	v12 =	vmul.f32 $8.999999760e-01, v20;
	v13 =	vld [tilespmem:s25+$0xFFFFFFA0]  }
0x145: {  	[tilespmem:s25+$0x10] =	vst v9;
	v9 =	vadd.f32 v10, v14;
	v10 =	vmul.f32 $1.000000010e-01, v21;
	v14 =	vld [tilespmem:s25+$0x20]  }
0x146: {  	[tilespmem:s25+$0x90] =	vst v11;
	v11 =	vadd.f32 v12, v17;
	v12 =	vmul.f32 $8.999999760e-01, v15;
	v15 =	vmul.f32 $1.000000010e-01, v15;
	v17 =	vld [tilespmem:s25+$0xA0]  }
0x147: {  	[tilespmem:s25+$0x110] =	vst v9;
	v9 =	vmul.f32 $8.999999760e-01, v16;
	v16 =	vmul.f32 $1.000000010e-01, v16;
	v19 =	vld [tilespmem:s25+$0x120]  }
0x148: {  	[tilespmem:s25+$0x190] =	vst v11;
	v10 =	vadd.f32 v12, v10;
	v11 =	vmul.f32 $8.999999760e-01, v18;
	v12 =	vmul.f32 $1.000000010e-01, v18;
	v18 =	vld [tilespmem:s25+$0x1A0]  }
0x149: {  	[tilespmem:s24+$0xFFFFFFD0] =	vst v20;
	v9 =	vadd.f32 v9, v15;
	v15 =	vmul.f32 $8.999999760e-01, v13;
	v13 =	vmul.f32 $1.000000010e-01, v13;
	v20 =	vld [tilespmem:s24+$0xFFFFFFF0]  }
0x14a: {  	[tilespmem:s25+$0xFFFFFE20] =	vst v10;
	v10 =	vadd.f32 v11, v16;
	v11 =	vmul.f32 $8.999999760e-01, v14;
	v14 =	vmul.f32 $1.000000010e-01, v14;
	v16 =	vld [tilespmem:s25+$0xFFFFFE30]  }
0x14b: {  	[tilespmem:s25+$0xFFFFFEA0] =	vst v9;
	v9 =	vadd.f32 v15, v12;
	v12 =	vmul.f32 $8.999999760e-01, v17;
	v15 =	vmul.f32 $1.000000010e-01, v17;
	v17 =	vld [tilespmem:s25+$0xFFFFFEB0]  }
0x14c: {  	[tilespmem:s25+$0xFFFFFF20] =	vst v10;
	v10 =	vadd.f32 v11, v13;
	v11 =	vmul.f32 $8.999999760e-01, v19;
	v13 =	vmul.f32 $1.000000010e-01, v19;
	v19 =	vld [tilespmem:s25+$0xFFFFFF30]  }
0x14d: {  	[tilespmem:s25+$0xFFFFFFA0] =	vst v9;
	v9 =	vadd.f32 v12, v14;
	v12 =	vmul.f32 $8.999999760e-01, v18;
	v14 =	vld [tilespmem:s25+$0xFFFFFFB0]  }
0x14e: {  	[tilespmem:s25+$0x20] =	vst v10;
	v10 =	vadd.f32 v11, v15;
	v11 =	vmul.f32 $1.000000010e-01, v20;
	v15 =	vld [tilespmem:s25+$0x30]  }
0x14f: {  	[tilespmem:s25+$0xA0] =	vst v9;
	v9 =	vadd.f32 v12, v13;
	v12 =	vmul.f32 $8.999999760e-01, v16;
	v13 =	vmul.f32 $1.000000010e-01, v16;
	v16 =	vld [tilespmem:s25+$0xB0]  }
0x150: {  	[tilespmem:s25+$0x120] =	vst v10;
	v10 =	vmul.f32 $8.999999760e-01, v17;
	v17 =	vmul.f32 $1.000000010e-01, v17;
	v20 =	vld [tilespmem:s25+$0x130]  }
0x151: {  	[tilespmem:s25+$0x1A0] =	vst v9;
	v9 =	vadd.f32 v12, v11;
	v11 =	vmul.f32 $8.999999760e-01, v19;
	v12 =	vmul.f32 $1.000000010e-01, v19;
	v19 =	vld [tilespmem:s25+$0x1B0]  }
0x152: {  	[tilespmem:s24+$0xFFFFFFE0] =	vst v18;
	v10 =	vadd.f32 v10, v13;
	v13 =	vmul.f32 $8.999999760e-01, v14;
	v14 =	vmul.f32 $1.000000010e-01, v14;
	v18 =	vld [tilespmem:s24+$0x0]  }
0x153: {  	[tilespmem:s25+$0xFFFFFE30] =	vst v9;
	v9 =	vadd.f32 v11, v17;
	v11 =	vmul.f32 $8.999999760e-01, v15;
	v15 =	vmul.f32 $1.000000010e-01, v15;
	v17 =	vld [tilespmem:s25+$0xFFFFFE40]  }
0x154: {  	[tilespmem:s25+$0xFFFFFEB0] =	vst v10;
	v10 =	vadd.f32 v13, v12;
	v12 =	vmul.f32 $8.999999760e-01, v16;
	v13 =	vmul.f32 $1.000000010e-01, v16;
	v16 =	vld [tilespmem:s25+$0xFFFFFEC0]  }
0x155: {  	[tilespmem:s25+$0xFFFFFF30] =	vst v9;
	v9 =	vadd.f32 v11, v14;
	v11 =	vmul.f32 $8.999999760e-01, v20;
	v14 =	vmul.f32 $1.000000010e-01, v20;
	v20 =	vld [tilespmem:s25+$0xFFFFFF40]  }
0x156: {  	[tilespmem:s25+$0xFFFFFFB0] =	vst v10;
	v10 =	vadd.f32 v12, v15;
	v12 =	vmul.f32 $8.999999760e-01, v19;
	v15 =	vld [tilespmem:s25+$0xFFFFFFC0]  }
0x157: {  	[tilespmem:s25+$0x30] =	vst v9;
	v9 =	vadd.f32 v11, v13;
	v11 =	vmul.f32 $1.000000010e-01, v18;
	v13 =	vld [tilespmem:s25+$0x40]  }
0x158: {  	[tilespmem:s25+$0xB0] =	vst v10;
	v10 =	vadd.f32 v12, v14;
	v12 =	vmul.f32 $8.999999760e-01, v17;
	v14 =	vmul.f32 $1.000000010e-01, v17;
	v17 =	vld [tilespmem:s25+$0xC0]  }
0x159: {  	[tilespmem:s25+$0x130] =	vst v9;
	v9 =	vmul.f32 $8.999999760e-01, v16;
	v16 =	vmul.f32 $1.000000010e-01, v16;
	v18 =	vld [tilespmem:s25+$0x140]  }
0x15a: {  	[tilespmem:s25+$0x1B0] =	vst v10;
	v10 =	vadd.f32 v12, v11;
	v11 =	vmul.f32 $8.999999760e-01, v20;
	v12 =	vmul.f32 $1.000000010e-01, v20;
	v20 =	vld [tilespmem:s25+$0x1C0]  }
0x15b: {  	[tilespmem:s24+$0xFFFFFFF0] =	vst v19;
	v9 =	vadd.f32 v9, v14;
	v14 =	vmul.f32 $8.999999760e-01, v15;
	v15 =	vmul.f32 $1.000000010e-01, v15;
	v19 =	vld [tilespmem:s24+$0x10]  }
0x15c: {  	[tilespmem:s25+$0xFFFFFE40] =	vst v10;
	v10 =	vadd.f32 v11, v16;
	v11 =	vmul.f32 $8.999999760e-01, v13;
	v13 =	vmul.f32 $1.000000010e-01, v13;
	v16 =	vld [tilespmem:s25+$0xFFFFFE50]  }
0x15d: {  	[tilespmem:s25+$0xFFFFFEC0] =	vst v9;
	v9 =	vadd.f32 v14, v12;
	v12 =	vmul.f32 $8.999999760e-01, v17;
	v14 =	vmul.f32 $1.000000010e-01, v17;
	v17 =	vld [tilespmem:s25+$0xFFFFFED0]  }
0x15e: {  	[tilespmem:s25+$0xFFFFFF40] =	vst v10;
	v10 =	vadd.f32 v11, v15;
	v11 =	vmul.f32 $8.999999760e-01, v18;
	v15 =	vmul.f32 $1.000000010e-01, v18;
	v18 =	vld [tilespmem:s25+$0xFFFFFF50]  }
0x15f: {  	[tilespmem:s25+$0xFFFFFFC0] =	vst v9;
	v9 =	vadd.f32 v12, v13;
	v12 =	vmul.f32 $8.999999760e-01, v20;
	v13 =	vld [tilespmem:s25+$0xFFFFFFD0]  }
0x160: {  	[tilespmem:s25+$0x40] =	vst v10;
	v10 =	vadd.f32 v11, v14;
	v11 =	vmul.f32 $1.000000010e-01, v19;
	v14 =	vld [tilespmem:s25+$0x50]  }
0x161: {  	[tilespmem:s25+$0xC0] =	vst v9;
	v9 =	vadd.f32 v12, v15;
	v12 =	vmul.f32 $8.999999760e-01, v16;
	v15 =	vmul.f32 $1.000000010e-01, v16;
	v16 =	vld [tilespmem:s25+$0xD0]  }
0x162: {  	[tilespmem:s25+$0x140] =	vst v10;
	v19 =	vmul.f32 $8.999999760e-01, v17;
	v17 =	vmul.f32 $1.000000010e-01, v17;
	v21 =	vld [tilespmem:s25+$0x150]  }
0x163: {  	[tilespmem:s25+$0x1C0] =	vst v9;
	v9 =	vadd.f32 v12, v11;
	v11 =	vmul.f32 $8.999999760e-01, v18;
	v12 =	vmul.f32 $1.000000010e-01, v18;
	v10 =	vld [tilespmem:s25+$0x1D0]  }
0x164: {  	[tilespmem:s24+$0x0] =	vst v20;
	v15 =	vadd.f32 v19, v15;
	v18 =	vmul.f32 $8.999999760e-01, v13;
	v13 =	vmul.f32 $1.000000010e-01, v13;
	v19 =	vld [tilespmem:s24+$0x20]  }
0x165: {  	[tilespmem:s25+$0xFFFFFE50] =	vst v9;
	v9 =	vadd.f32 v11, v17;
	v11 =	vmul.f32 $8.999999760e-01, v14;
	v14 =	vmul.f32 $1.000000010e-01, v14;
	v17 =	vld [tilespmem:s25+$0xFFFFFE60]  }
0x166: {  	[tilespmem:s25+$0xFFFFFED0] =	vst v15;
	v12 =	vadd.f32 v18, v12;
	v15 =	vmul.f32 $8.999999760e-01, v16;
	v16 =	vmul.f32 $1.000000010e-01, v16;
	v18 =	vld [tilespmem:s25+$0xFFFFFEE0]  }
0x167: {  	[tilespmem:s25+$0xFFFFFF50] =	vst v9;
	v9 =	vadd.f32 v11, v13;
	v11 =	vmul.f32 $8.999999760e-01, v21;
	v13 =	vmul.f32 $1.000000010e-01, v21;
	v20 =	vld [tilespmem:s25+$0xFFFFFF60]  }
0x168: {  	[tilespmem:s25+$0xFFFFFFD0] =	vst v12;
	v12 =	vadd.f32 v15, v14;
	v14 =	vmul.f32 $8.999999760e-01, v10;
	v21 =	vld [tilespmem:s25+$0xFFFFFFE0]  }
.Ltmp2:
0x169: {  	[tilespmem:s25+$0x50] =	vst v9;
	v9 =	vadd.f32 v11, v16;
	v15 =	vmul.f32 $1.000000010e-01, v19;
	v11 =	vld [tilespmem:s25+$0x60];
	(pc) =	sbr.rel @p0 .LBB2_7-.Ltmp2, $4  }
0x16a: {  	[tilespmem:s25+$0xD0] =	vst v12;
	v14 =	vadd.f32 v14, v13;
	v19 =	vmul.f32 $8.999999760e-01, v17;
	v22 =	vmul.f32 $1.000000010e-01, v17;
	v12 =	vld [tilespmem:s25+$0xE0]  }
0x16b: {  	[tilespmem:s25+$0x150] =	vst v9;
	v23 =	vmul.f32 $8.999999760e-01, v18;
	v16 =	vmul.f32 $1.000000010e-01, v18;
	v13 =	vld [tilespmem:s25+$0x160]  }
0x16c: {  	[tilespmem:s25+$0x1D0] =	vst v14;
	v14 =	vadd.f32 v19, v15;
	v19 =	vmul.f32 $8.999999760e-01, v20;
	v17 =	vmul.f32 $1.000000010e-01, v20;
	v9 =	vld [tilespmem:s25+$0x1E0]  }
0x16d: {  	s24 =	sadd.s32 $0x80, s24;
	v15 =	vld [tilespmem:s21+$0xFFFFFFC0];
	[tilespmem:s25+$0xFFFFFE80] =	vst v8;
	v8 =	vadd.f32 v23, v22;
	v20 =	vmul.f32 $8.999999760e-01, v21;
	v18 =	vmul.f32 $1.000000010e-01, v21  }
0x16e: {  	[tilespmem:s22+$0xFFFFFF00] =	vst v2  }
0x16f: {  	[tilespmem:s22+$0xFFFFFF80] =	vst v3  }
0x170: {  	[tilespmem:s22+$0x0] =	vst v4  }
0x171: {  	[tilespmem:s22+$0x80] =	vst v5  }
0x172: {  	[tilespmem:s22+$0x100] =	vst v6  }
0x173: {  	[tilespmem:s22+$0x180] =	vst v7  }
0x174: {  	[tilespmem:s21+$0x10] =	vst v10  }
0x175: {  	[tilespmem:s22+$0xFFFFFE60] =	vst v14;
	v52 =	vadd.f32 v19, v16;
	v53 =	vmul.f32 $8.999999760e-01, v11  }
0x176: {  	v56 =	vmul.f32 $1.000000010e-01, v11;
	v54 =	vadd.f32 v20, v17;
	v55 =	vmul.f32 $8.999999760e-01, v12;
	[tilespmem:s22+$0xFFFFFEE0] =	vst v8  }
0x177: {  	v58 =	vmul.f32 $1.000000010e-01, v12;
	v2 =	vadd.f32 v53, v18;
	v57 =	vmul.f32 $8.999999760e-01, v13;
	[tilespmem:s22+$0xFFFFFF60] =	vst v52  }
0x178: {  	v61 =	vmul.f32 $1.000000010e-01, v13;
	v59 =	vadd.f32 v55, v56;
	v60 =	vmul.f32 $8.999999760e-01, v9;
	[tilespmem:s22+$0xFFFFFFE0] =	vst v54  }
0x179: {  	v51 =	vmul.f32 $1.000000010e-01, v15;
	v62 =	vadd.f32 v57, v58;
	[tilespmem:s22+$0x60] =	vst v2  }
0x17a: {  	s19 =	sadd.s32 $0x1, s19;
	v63 =	vadd.f32 v60, v61;
	[tilespmem:s22+$0xE0] =	vst v59  }
0x17b: {  	p0 =	sne.s32 s19, $0x10;
	v1 =	vadd.f32 v1, v51;
	[tilespmem:s22+$0x160] =	vst v62  }
.Ltmp3:
0x17c: {  	[tilespmem:s22+$0x1E0] =	vst v63;
	(pc) =	sbr.rel @p0 .LBB2_4-.Ltmp3, $4  }
0x17d: {  	[tilespmem:s22+$0xFFFFFE00] =	vst v1  }
0x17e: {  	[tilespmem:s21+$0x20] =	vst v9  }
0x17f: {  	s20 =	sadd.s32 s3, s20;
	[tilespmem:s21+$0xFFFFFFC0] =	vst v0  }
0x180: {  	[hbm4b:s20+s4] =	stream.linear.scatter [tilespmem:s13], [sflag:$0x4], $0x8000, $0x38;
	[tilespmem:$0x19000] =	vst v63  }
0x181: {  	s18 =	sadd.s32 $0x1, s18  }
0x182: {  	_ =	swait.ge [sflag:s16], $0x8000;
	p0 =	sne.s32 s18, s10  }
.Ltmp4:
0x183: {  	[sflag:s16] =	ssyncset.done $0x0;
	(pc) =	sbr.rel @p0 .LBB2_1-.Ltmp4, $4  }
0x184: {  	[sflag:s16] =	ssyncadd.s32 $0xFFFF8000  }
0x185: {  	_ =	swait.ge [sflag:s17], $0x8000  }
0x186: {  	[sflag:s17] =	ssyncset.done $0x0  }
0x187: {  	[sflag:s17] =	ssyncadd.s32 $0xFFFF8000  }
0x188: {  	_ =	sfence.sel $0x180000  }
0x189: {  	[bflag:$0x0] =	sbarrier.arrive $0xFFFF  }
0x18a: {  	p0 =	sne.s32 s0, $0x0;
	_ =	strace $0x90000047  }
0x18b: {  	s0 =	sadd.s32 @!p0 $0x100000, s1;
	[bflag:$0x2] =	sbarrier.arrive $0xFFFF  }
0x18c: {  	[sflag:s0] =	ssyncadd.tile.s32 @!p0 $0x1;
	_ =	shalt  }
.Lfunc_end2:
_tile_overlayer_lowered:
.L_overlay_start_2:
0x18d: {  	(tag) =	ssettag $0x2  }
0x18e: {  	s0 =	rddreg [dreg:$0x0];
	s2 =	stileid.u32  }
0x18f: {  	s1 =	rddreg [dreg:$0x1];
	p0 =	sne.s32 s2, $0x0  }
0x190: {  	s3 =	rddreg [dreg:$0x2];
	[bflag:$0x3] =	sbarrier.arrive $0xFFFF;
	s2 =	simm.s32 @!p0 $0x1C06  }
0x191: {  	[timem:s3], [sflag:s2] =	dma.local @!p0 [hbm:s0], s1  }
0x192: {  	s0 =	simm.s32 @!p0 $0x6  }
0x193: {  	_ =	swait.ge @!p0 [sflag:s0], s1  }
0x194: {  	s1 =	ssub.s32 @!p0 $0x0, s1;
	[sflag:s0] =	ssyncset.done @!p0 $0x0  }
0x195: {  	[sflag:s0] =	ssyncadd.s32 @!p0 s1  }
0x196: {  	[bflag:$0x3] =	sbarrier.arrive $0xFFFF  }
0x197: {  	_ =	shalt  }

</sc_bundles>
